<compile_context>
chip_gen: v7x
topology: tpu7x:2x2x1
jax: 0.10.2.dev20260603
libtpu: 0.0.44.dev20260713+nightly
codegen_flags: <defaults>
</compile_context>

<pallas_src>
import functools

import jax
import jax.numpy as jnp
from jax import lax
from jax.experimental import pallas as pl
from jax.experimental.pallas import tpu as pltpu
from jax.experimental.pallas import tpu_sc as plsc

ALPHA = 0.2
MOMENTUM = 0.8
BQ = 512
TOK_CHUNK = 256


def _rownorm(x):
    n = jnp.sqrt(jnp.sum(x * x, axis=1, keepdims=True))
    return x / jnp.clip(n, 1e-12)


def _img_stats(step, cache, tok_ref, q_ref, as_ref, cm_ref, cnt_ref, m):
    tok = tok_ref[...]
    n = jnp.sqrt(jnp.sum(tok * tok, axis=1, keepdims=True))
    invn = 1.0 / jnp.clip(n, 1e-12)
    b = tok * invn
    s = jax.lax.dot_general(b, cache, (((1,), (1,)), ((), ())))
    rv = jnp.max(s, axis=1, keepdims=True)
    jidx = jax.lax.broadcasted_iota(jnp.int32, s.shape, 1)
    amin = jnp.min(jnp.where(s == rv, jidx, m), axis=1, keepdims=True)
    q_ref[...] = b * jnp.exp(rv)
    as_ref[...] = amin
    pcm = jnp.max(s, axis=0, keepdims=True)
    pc = jnp.sum((jidx == amin).astype(jnp.float32), axis=0, keepdims=True)

    @pl.when(step == 0)
    def _():
        cm_ref[...] = pcm
        cnt_ref[...] = pc

    @pl.when(step != 0)
    def _():
        cm_ref[...] = jnp.maximum(cm_ref[...], pcm)
        cnt_ref[...] = cnt_ref[...] + pc


def _stats_kernel(i4_ref, i8_ref, i12_ref, cache_ref,
                  sc4_ref, as4_ref, cm4_ref, cnt4_ref,
                  sc8_ref, as8_ref, cm8_ref, cnt8_ref,
                  sc12_ref, as12_ref, cm12_ref, cnt12_ref, *, m):
    step = pl.program_id(0)
    cache = cache_ref[...]
    _img_stats(step, cache, i4_ref, sc4_ref, as4_ref, cm4_ref, cnt4_ref, m)
    _img_stats(step, cache, i8_ref, sc8_ref, as8_ref, cm8_ref, cnt8_ref, m)
    _img_stats(step, cache, i12_ref, sc12_ref, as12_ref, cm12_ref, cnt12_ref, m)


def _read_kernel(text_ref, cache_ref, w1_ref, w2_ref, tf_ref, loss_ref):
    step = pl.program_id(0)
    cache = cache_ref[...]
    text = text_ref[...]
    base = _rownorm(text)
    s = jax.lax.dot_general(base, cache, (((1,), (1,)), ((), ())))
    p = jnp.exp(s - jnp.max(s, axis=1, keepdims=True))
    p = p / jnp.sum(p, axis=1, keepdims=True)
    fine = jax.lax.dot_general(p, cache, (((1,), (0,)), ((), ())))
    tf = ALPHA * (jax.lax.dot_general(text, w1_ref[...], (((1,), (1,)), ((), ())))
                  + jax.lax.dot_general(fine, w2_ref[...], (((1,), (1,)), ((), ())))) + text
    tf_ref[...] = tf
    ab = jnp.abs(_rownorm(tf) - text)
    pa = jnp.sum(jnp.sum(ab, axis=1, keepdims=True), axis=0, keepdims=True)

    @pl.when(step == 0)
    def _():
        loss_ref[...] = pa

    @pl.when(step != 0)
    def _():
        loss_ref[...] = loss_ref[...] + pa


def _sc_body(q4_ref, q8_ref, q12_ref, as4_ref, as8_ref, as12_ref,
             o4_ref, o8_ref, o12_ref,
             tok_v, as_v, sums_v, *, c, m, nc):
    cid = lax.axis_index("c")
    sid = lax.axis_index("s")
    wid = sid * nc + cid
    lane0 = wid * 16
    lanes = lax.iota(jnp.int32, 16)

    for q_hbm, asn_hbm, out_hbm in ((q4_ref, as4_ref, o4_ref),
                                    (q8_ref, as8_ref, o8_ref),
                                    (q12_ref, as12_ref, o12_ref)):
        pltpu.sync_copy(asn_hbm, as_v)

        @functools.partial(plsc.parallel_loop, 0, m, unroll=8)
        def _(i):
            sums_v[i, :] = jnp.zeros((16,), jnp.float32)

        def chunk_body(ci, _):
            base = ci * TOK_CHUNK
            pltpu.sync_copy(
                q_hbm.at[pl.ds(base, TOK_CHUNK), pl.ds(lane0, 16)], tok_v)

            @functools.partial(plsc.parallel_loop, 0, TOK_CHUNK, unroll=8)
            def _(r):
                iv = jnp.zeros((16,), jnp.int32) + (base + r)
                av = plsc.load_gather(as_v, [iv])
                plsc.addupdate_scatter(sums_v, [av, lanes], tok_v[r, :])
            return 0
        lax.fori_loop(0, c // TOK_CHUNK, chunk_body, 0)

        pltpu.sync_copy(sums_v, out_hbm.at[:, pl.ds(lane0, 16)])


def _update_kernel(cache_ref, s4_ref, c4_ref, m4_ref, s8_ref, c8_ref, m8_ref,
                   s12_ref, c12_ref, m12_ref, out_ref):
    cache = cache_ref[...]
    acc = None
    for s_ref, c_ref, m_ref in ((s4_ref, c4_ref, m4_ref),
                                (s8_ref, c8_ref, m8_ref),
                                (s12_ref, c12_ref, m12_ref)):
        sums = s_ref[...] * jnp.exp(-m_ref[...])
        upd = jnp.where(c_ref[...] > 0.0,
                        MOMENTUM * cache + (1.0 - MOMENTUM) * sums,
                        cache)
        u = _rownorm(upd)
        acc = u if acc is None else acc + u
    out_ref[...] = acc / 3.0


def kernel(text_token, image_token4, image_token8, image_token12, cache, W):
    c, d = text_token.shape
    m = cache.shape[0]
    nblk = c // BQ
    w1 = W[:, :d]
    w2 = W[:, d:]
    f32 = jnp.float32

    tok_spec = pl.BlockSpec((BQ, d), lambda i: (i, 0))
    full2 = lambda shape: pl.BlockSpec(shape, lambda i: (0, 0))
    col_spec = pl.BlockSpec((BQ, 1), lambda i: (i, 0))

    stats_out_shape = tuple(
        x for _ in range(3) for x in (
            jax.ShapeDtypeStruct((c, d), f32),
            jax.ShapeDtypeStruct((c, 1), jnp.int32),
            jax.ShapeDtypeStruct((1, m), f32),
            jax.ShapeDtypeStruct((1, m), f32),
        )
    )
    stats_out_spec = tuple(
        x for _ in range(3) for x in (tok_spec, col_spec, full2((1, m)),
                                      full2((1, m)))
    )
    (q4, as4, cm4, cnt4, q8, as8, cm8, cnt8,
     q12, as12, cm12, cnt12) = pl.pallas_call(
        functools.partial(_stats_kernel, m=m),
        grid=(nblk,),
        in_specs=[tok_spec, tok_spec, tok_spec, full2((m, d))],
        out_specs=stats_out_spec,
        out_shape=stats_out_shape,
    )(image_token4, image_token8, image_token12, cache)

    text_fine, loss_sum = pl.pallas_call(
        _read_kernel,
        grid=(nblk,),
        in_specs=[tok_spec, full2((m, d)), full2((d, d)), full2((d, d))],
        out_specs=(tok_spec, full2((1, 1))),
        out_shape=(jax.ShapeDtypeStruct((c, d), f32),
                   jax.ShapeDtypeStruct((1, 1), f32)),
    )(text_token, cache, w1, w2)

    info = plsc.get_sparse_core_info()
    nc = info.num_cores
    mesh = plsc.VectorSubcoreMesh(core_axis_name="c", subcore_axis_name="s")
    sc_fn = pl.kernel(
        functools.partial(_sc_body, c=c, m=m, nc=nc),
        mesh=mesh,
        compiler_params=pltpu.CompilerParams(use_tc_tiling_on_sc=False,
                                             needs_layout_passes=False),
        out_type=tuple(jax.ShapeDtypeStruct((m, d), f32) for _ in range(3)),
        scratch_types=[
            pltpu.VMEM((TOK_CHUNK, 16), f32),
            pltpu.VMEM((c,), jnp.int32),
            pltpu.VMEM((m, 16), f32),
        ],
    )
    s4, s8, s12 = sc_fn(q4, q8, q12,
                        as4.reshape(c), as8.reshape(c), as12.reshape(c))

    bm = 688 if m % 688 == 0 else m
    row_spec = pl.BlockSpec((bm, d), lambda i: (i, 0))
    cnt_spec = pl.BlockSpec((bm, 1), lambda i: (i, 0))
    updated_cache = pl.pallas_call(
        _update_kernel,
        grid=(m // bm,),
        in_specs=[row_spec] + [x for _ in range(3)
                               for x in (row_spec, cnt_spec, cnt_spec)],
        out_specs=row_spec,
        out_shape=jax.ShapeDtypeStruct((m, d), f32),
    )(cache, s4, cnt4.T, cm4.T, s8, cnt8.T, cm8.T, s12, cnt12.T, cm12.T)

    loss = loss_sum[0, 0] / (c * d)
    return (text_fine, loss, updated_cache)

# --- scband reference (transcript-rebuilt; emitter-appended) ---
"""Pipeline reference for scband-cf-67104569033471 (READ-ONLY COPY).

The authoritative reference and input builder live on the scoring server;
editing this copy changes nothing except your own understanding.
"""

import jax, jax.numpy as jnp
import numpy as np

ALPHA = 0.2
MOMENTUM = 0.8
FEATURE_DIM = 512
MEM_ROWS = int(2048 * 1.68)  # 3440, matches torch int(memory_size * 1.68)
C_TOKENS = 8192


def _normalize(x, axis=-1):
    n = jnp.linalg.norm(x, axis=axis, keepdims=True)
    return x / jnp.clip(n, 1e-12)


def _write_update(tokens, cache, momentum):
    # mirrors CF.write inner loop for one image-token tensor, vectorized with segment_sum
    b = _normalize(tokens.reshape(-1, cache.shape[1]))
    score = b @ cache.T                       # [N, m]
    sq = jax.nn.softmax(score, axis=0)        # softmax over queries (dim=0)
    sc = jax.nn.softmax(score, axis=1)        # softmax over cache slots (dim=1)
    assign = jnp.argmax(sc, axis=1)           # top-1 slot per token
    col_max = jnp.max(sq, axis=0)             # max over all queries per slot
    w = jnp.take_along_axis(sq, assign[:, None], axis=1)[:, 0] / col_max[assign]
    m = cache.shape[0]
    sums = jax.ops.segment_sum(w[:, None] * b, assign, num_segments=m)
    counts = jax.ops.segment_sum(jnp.ones_like(w), assign, num_segments=m)
    upd = jnp.where((counts > 0)[:, None], momentum * cache + (1.0 - momentum) * sums, cache)
    return _normalize(upd)


def setup_inputs(seed: int = 0) -> dict:
    key = jax.random.key(seed)
    ks = jax.random.split(key, 6)
    C, d, m = C_TOKENS, FEATURE_DIM, MEM_ROWS
    text_token = jax.random.normal(ks[0], (C, d), dtype=jnp.float32)
    image_token4 = jax.random.normal(ks[1], (C, d), dtype=jnp.float32)
    image_token8 = jax.random.normal(ks[2], (C, d), dtype=jnp.float32)
    image_token12 = jax.random.normal(ks[3], (C, d), dtype=jnp.float32)
    cache = _normalize(jax.random.uniform(ks[4], (m, d), dtype=jnp.float32))
    W = jax.random.normal(ks[5], (d, 2 * d), dtype=jnp.float32) / jnp.sqrt(2.0 * d)
    return {
        "text_token": text_token,
        "image_token4": image_token4,
        "image_token8": image_token8,
        "image_token12": image_token12,
        "cache": cache,
        "W": W,
    }


def reference(text_token, image_token4, image_token8, image_token12, cache, W):
    d = cache.shape[1]
    # --- read (training mode: cache detached) ---
    cache_d = jax.lax.stop_gradient(cache)
    base = _normalize(text_token)
    score = base @ cache_d.T
    sc = jax.nn.softmax(score, axis=1)
    fine_feature = sc @ cache_d
    text_fine = ALPHA * (jnp.concatenate([text_token, fine_feature], axis=-1) @ W.T) + text_token
    # --- write (training mode side-effect: returned as new functional state) ---
    u1 = _write_update(image_token4, cache_d, MOMENTUM)
    u2 = _write_update(image_token8, cache_d, MOMENTUM)
    u3 = _write_update(image_token12, cache_d, MOMENTUM)
    updated_cache = (u1 + u2 + u3) / 3.0
    # --- training loss ---
    loss = jnp.mean(jnp.abs(_normalize(text_fine) - text_token))
    return (text_fine, loss, updated_cache)

if __name__ == "__main__":
    import jax
    _d = setup_inputs()
    print(jax.jit(kernel)(*tuple(_d.values())))

</pallas_src>

<mosaic_0001>
#map = affine_map<(d0, d1) -> (0, 0)>
#map1 = affine_map<(d0, d1) -> (0)>
module attributes {stable_mosaic.version = 14 : i64} {
  func.func @_sc_body(%arg0: i32, %arg1: i32, %arg2: memref<8192x512xf32, #tpu.memory_space<hbm>>, %arg3: memref<8192x512xf32, #tpu.memory_space<hbm>>, %arg4: memref<8192x512xf32, #tpu.memory_space<hbm>>, %arg5: memref<8192xi32, #tpu.memory_space<hbm>>, %arg6: memref<8192xi32, #tpu.memory_space<hbm>>, %arg7: memref<8192xi32, #tpu.memory_space<hbm>>, %arg8: memref<3440x512xf32, #tpu.memory_space<hbm>>, %arg9: memref<3440x512xf32, #tpu.memory_space<hbm>>, %arg10: memref<3440x512xf32, #tpu.memory_space<hbm>>, %arg11: memref<256x16xf32, #tpu.memory_space<vmem>>, %arg12: memref<8192xi32, #tpu.memory_space<vmem>>, %arg13: memref<3440x16xf32, #tpu.memory_space<vmem>>) attributes {dimension_semantics = [#tpu.dimension_semantics<core_parallel>, #tpu.dimension_semantics<subcore_parallel>], iteration_bounds = array<i64: 2, 16>, scalar_prefetch = 0 : i64, scratch_operands = 3 : i64, tpu.core_type = #tpu.core_type<sc_vector_subcore>, window_params = [{transform_indices = #map}, {transform_indices = #map}, {transform_indices = #map}, {transform_indices = #map1}, {transform_indices = #map1}, {transform_indices = #map1}, {transform_indices = #map}, {transform_indices = #map}, {transform_indices = #map}]} {
    %mul3A = arith.constant 2 : i32
    %mul3A_0 = arith.muli %arg1, %mul3A : i32
    %add3A = arith.addi %mul3A_0, %arg0 : i32
    %mul3A_1 = arith.constant 16 : i32
    %mul3A_2 = arith.muli %add3A, %mul3A_1 : i32
    %iota3A = tpu.iota {dimensions = array<i32: 0>} : vector<16xi32>
    "tpu.region"() ({
      %run_scoped3A = tpu.sem_alloc : memref<!tpu.dma_semaphore, #tpu.memory_space<semaphore_mem>>
      tpu.enqueue_dma source(%arg5 : memref<8192xi32, #tpu.memory_space<hbm>>) target(%arg12 : memref<8192xi32, #tpu.memory_space<vmem>>) target_semaphore(%run_scoped3A : memref<!tpu.dma_semaphore, #tpu.memory_space<semaphore_mem>>)
      tpu.wait_dma2 semaphore(%run_scoped3A : memref<!tpu.dma_semaphore, #tpu.memory_space<semaphore_mem>>) src(%arg5 : memref<8192xi32, #tpu.memory_space<hbm>>) dst(%arg12 : memref<8192xi32, #tpu.memory_space<vmem>>)
      tpu.yield
    }) : () -> ()
    %scan3A = arith.constant 0 : i32
    %scan3A_3 = arith.constant 0 : i32
    %scan3A_4 = arith.constant 32 : i32
    %scan3A_5 = arith.addi %scan3A_3, %scan3A_4 : i32
    %scan3A_6 = arith.constant 1 : i32
    %scan3A_7 = scf.for %scan3A_23 = %scan3A_3 to %scan3A_5 step %scan3A_6 iter_args(%scan3A_24 = %scan3A) -> (i32)  : i32 {
      %mul3A_25 = arith.constant 256 : i32
      %mul3A_26 = arith.muli %scan3A_23, %mul3A_25 : i32
      "tpu.region"() ({
        %run_scoped3A = tpu.sem_alloc : memref<!tpu.dma_semaphore, #tpu.memory_space<semaphore_mem>>
        %dma_start3A = tpu.memref_slice %arg2[%mul3A_26, %mul3A_2] : memref<8192x512xf32, #tpu.memory_space<hbm>> -> memref<256x16xf32, #tpu.memory_space<hbm>>
        %dma_start3A_28 = tpu.memref_slice %arg2[%mul3A_26, %mul3A_2] : memref<8192x512xf32, #tpu.memory_space<hbm>> -> memref<256x16xf32, #tpu.memory_space<hbm>>
        tpu.enqueue_dma source(%dma_start3A_28 : memref<256x16xf32, #tpu.memory_space<hbm>>) target(%arg11 : memref<256x16xf32, #tpu.memory_space<vmem>>) target_semaphore(%run_scoped3A : memref<!tpu.dma_semaphore, #tpu.memory_space<semaphore_mem>>)
        %dma_wait3A = tpu.memref_slice %arg2[%mul3A_26, %mul3A_2] : memref<8192x512xf32, #tpu.memory_space<hbm>> -> memref<256x16xf32, #tpu.memory_space<hbm>>
        %dma_wait3A_29 = tpu.memref_slice %arg2[%mul3A_26, %mul3A_2] : memref<8192x512xf32, #tpu.memory_space<hbm>> -> memref<256x16xf32, #tpu.memory_space<hbm>>
        tpu.wait_dma2 semaphore(%run_scoped3A : memref<!tpu.dma_semaphore, #tpu.memory_space<semaphore_mem>>) src(%dma_wait3A_29 : memref<256x16xf32, #tpu.memory_space<hbm>>) dst(%arg11 : memref<256x16xf32, #tpu.memory_space<vmem>>)
        tpu.yield
      }) : () -> ()
      %scan3A_27 = arith.constant 0 : i32
      scf.yield %scan3A_27 : i32
    }
    %scan3A_8 = arith.constant 32 : i32
    "tpu.region"() ({
      %run_scoped3A = tpu.sem_alloc : memref<!tpu.dma_semaphore, #tpu.memory_space<semaphore_mem>>
      %dma_start3A = arith.constant 0 : i32
      %dma_start3A_23 = tpu.memref_slice %arg8[%dma_start3A, %mul3A_2] : memref<3440x512xf32, #tpu.memory_space<hbm>> -> memref<3440x16xf32, #tpu.memory_space<hbm>>
      %dma_start3A_24 = arith.constant 0 : i32
      %dma_start3A_25 = tpu.memref_slice %arg8[%dma_start3A_24, %mul3A_2] : memref<3440x512xf32, #tpu.memory_space<hbm>> -> memref<3440x16xf32, #tpu.memory_space<hbm>>
      tpu.enqueue_dma source(%arg13 : memref<3440x16xf32, #tpu.memory_space<vmem>>) target(%dma_start3A_25 : memref<3440x16xf32, #tpu.memory_space<hbm>>) target_semaphore(%run_scoped3A : memref<!tpu.dma_semaphore, #tpu.memory_space<semaphore_mem>>)
      %dma_wait3A = arith.constant 0 : i32
      %dma_wait3A_26 = tpu.memref_slice %arg8[%dma_wait3A, %mul3A_2] : memref<3440x512xf32, #tpu.memory_space<hbm>> -> memref<3440x16xf32, #tpu.memory_space<hbm>>
      %dma_wait3A_27 = arith.constant 0 : i32
      %dma_wait3A_28 = tpu.memref_slice %arg8[%dma_wait3A_27, %mul3A_2] : memref<3440x512xf32, #tpu.memory_space<hbm>> -> memref<3440x16xf32, #tpu.memory_space<hbm>>
      tpu.wait_dma2 semaphore(%run_scoped3A : memref<!tpu.dma_semaphore, #tpu.memory_space<semaphore_mem>>) src(%arg13 : memref<3440x16xf32, #tpu.memory_space<vmem>>) dst(%dma_wait3A_28 : memref<3440x16xf32, #tpu.memory_space<hbm>>)
      tpu.yield
    }) : () -> ()
    "tpu.region"() ({
      %run_scoped3A = tpu.sem_alloc : memref<!tpu.dma_semaphore, #tpu.memory_space<semaphore_mem>>
      tpu.enqueue_dma source(%arg6 : memref<8192xi32, #tpu.memory_space<hbm>>) target(%arg12 : memref<8192xi32, #tpu.memory_space<vmem>>) target_semaphore(%run_scoped3A : memref<!tpu.dma_semaphore, #tpu.memory_space<semaphore_mem>>)
      tpu.wait_dma2 semaphore(%run_scoped3A : memref<!tpu.dma_semaphore, #tpu.memory_space<semaphore_mem>>) src(%arg6 : memref<8192xi32, #tpu.memory_space<hbm>>) dst(%arg12 : memref<8192xi32, #tpu.memory_space<vmem>>)
      tpu.yield
    }) : () -> ()
    %scan3A_9 = arith.constant 0 : i32
    %scan3A_10 = arith.constant 0 : i32
    %scan3A_11 = arith.constant 32 : i32
    %scan3A_12 = arith.addi %scan3A_10, %scan3A_11 : i32
    %scan3A_13 = arith.constant 1 : i32
    %scan3A_14 = scf.for %scan3A_23 = %scan3A_10 to %scan3A_12 step %scan3A_13 iter_args(%scan3A_24 = %scan3A_9) -> (i32)  : i32 {
      %mul3A_25 = arith.constant 256 : i32
      %mul3A_26 = arith.muli %scan3A_23, %mul3A_25 : i32
      "tpu.region"() ({
        %run_scoped3A = tpu.sem_alloc : memref<!tpu.dma_semaphore, #tpu.memory_space<semaphore_mem>>
        %dma_start3A = tpu.memref_slice %arg3[%mul3A_26, %mul3A_2] : memref<8192x512xf32, #tpu.memory_space<hbm>> -> memref<256x16xf32, #tpu.memory_space<hbm>>
        %dma_start3A_28 = tpu.memref_slice %arg3[%mul3A_26, %mul3A_2] : memref<8192x512xf32, #tpu.memory_space<hbm>> -> memref<256x16xf32, #tpu.memory_space<hbm>>
        tpu.enqueue_dma source(%dma_start3A_28 : memref<256x16xf32, #tpu.memory_space<hbm>>) target(%arg11 : memref<256x16xf32, #tpu.memory_space<vmem>>) target_semaphore(%run_scoped3A : memref<!tpu.dma_semaphore, #tpu.memory_space<semaphore_mem>>)
        %dma_wait3A = tpu.memref_slice %arg3[%mul3A_26, %mul3A_2] : memref<8192x512xf32, #tpu.memory_space<hbm>> -> memref<256x16xf32, #tpu.memory_space<hbm>>
        %dma_wait3A_29 = tpu.memref_slice %arg3[%mul3A_26, %mul3A_2] : memref<8192x512xf32, #tpu.memory_space<hbm>> -> memref<256x16xf32, #tpu.memory_space<hbm>>
        tpu.wait_dma2 semaphore(%run_scoped3A : memref<!tpu.dma_semaphore, #tpu.memory_space<semaphore_mem>>) src(%dma_wait3A_29 : memref<256x16xf32, #tpu.memory_space<hbm>>) dst(%arg11 : memref<256x16xf32, #tpu.memory_space<vmem>>)
        tpu.yield
      }) : () -> ()
      %scan3A_27 = arith.constant 0 : i32
      scf.yield %scan3A_27 : i32
    }
    %scan3A_15 = arith.constant 32 : i32
    "tpu.region"() ({
      %run_scoped3A = tpu.sem_alloc : memref<!tpu.dma_semaphore, #tpu.memory_space<semaphore_mem>>
      %dma_start3A = arith.constant 0 : i32
      %dma_start3A_23 = tpu.memref_slice %arg9[%dma_start3A, %mul3A_2] : memref<3440x512xf32, #tpu.memory_space<hbm>> -> memref<3440x16xf32, #tpu.memory_space<hbm>>
      %dma_start3A_24 = arith.constant 0 : i32
      %dma_start3A_25 = tpu.memref_slice %arg9[%dma_start3A_24, %mul3A_2] : memref<3440x512xf32, #tpu.memory_space<hbm>> -> memref<3440x16xf32, #tpu.memory_space<hbm>>
      tpu.enqueue_dma source(%arg13 : memref<3440x16xf32, #tpu.memory_space<vmem>>) target(%dma_start3A_25 : memref<3440x16xf32, #tpu.memory_space<hbm>>) target_semaphore(%run_scoped3A : memref<!tpu.dma_semaphore, #tpu.memory_space<semaphore_mem>>)
      %dma_wait3A = arith.constant 0 : i32
      %dma_wait3A_26 = tpu.memref_slice %arg9[%dma_wait3A, %mul3A_2] : memref<3440x512xf32, #tpu.memory_space<hbm>> -> memref<3440x16xf32, #tpu.memory_space<hbm>>
      %dma_wait3A_27 = arith.constant 0 : i32
      %dma_wait3A_28 = tpu.memref_slice %arg9[%dma_wait3A_27, %mul3A_2] : memref<3440x512xf32, #tpu.memory_space<hbm>> -> memref<3440x16xf32, #tpu.memory_space<hbm>>
      tpu.wait_dma2 semaphore(%run_scoped3A : memref<!tpu.dma_semaphore, #tpu.memory_space<semaphore_mem>>) src(%arg13 : memref<3440x16xf32, #tpu.memory_space<vmem>>) dst(%dma_wait3A_28 : memref<3440x16xf32, #tpu.memory_space<hbm>>)
      tpu.yield
    }) : () -> ()
    "tpu.region"() ({
      %run_scoped3A = tpu.sem_alloc : memref<!tpu.dma_semaphore, #tpu.memory_space<semaphore_mem>>
      tpu.enqueue_dma source(%arg7 : memref<8192xi32, #tpu.memory_space<hbm>>) target(%arg12 : memref<8192xi32, #tpu.memory_space<vmem>>) target_semaphore(%run_scoped3A : memref<!tpu.dma_semaphore, #tpu.memory_space<semaphore_mem>>)
      tpu.wait_dma2 semaphore(%run_scoped3A : memref<!tpu.dma_semaphore, #tpu.memory_space<semaphore_mem>>) src(%arg7 : memref<8192xi32, #tpu.memory_space<hbm>>) dst(%arg12 : memref<8192xi32, #tpu.memory_space<vmem>>)
      tpu.yield
    }) : () -> ()
    %scan3A_16 = arith.constant 0 : i32
    %scan3A_17 = arith.constant 0 : i32
    %scan3A_18 = arith.constant 32 : i32
    %scan3A_19 = arith.addi %scan3A_17, %scan3A_18 : i32
    %scan3A_20 = arith.constant 1 : i32
    %scan3A_21 = scf.for %scan3A_23 = %scan3A_17 to %scan3A_19 step %scan3A_20 iter_args(%scan3A_24 = %scan3A_16) -> (i32)  : i32 {
      %mul3A_25 = arith.constant 256 : i32
      %mul3A_26 = arith.muli %scan3A_23, %mul3A_25 : i32
      "tpu.region"() ({
        %run_scoped3A = tpu.sem_alloc : memref<!tpu.dma_semaphore, #tpu.memory_space<semaphore_mem>>
        %dma_start3A = tpu.memref_slice %arg4[%mul3A_26, %mul3A_2] : memref<8192x512xf32, #tpu.memory_space<hbm>> -> memref<256x16xf32, #tpu.memory_space<hbm>>
        %dma_start3A_28 = tpu.memref_slice %arg4[%mul3A_26, %mul3A_2] : memref<8192x512xf32, #tpu.memory_space<hbm>> -> memref<256x16xf32, #tpu.memory_space<hbm>>
        tpu.enqueue_dma source(%dma_start3A_28 : memref<256x16xf32, #tpu.memory_space<hbm>>) target(%arg11 : memref<256x16xf32, #tpu.memory_space<vmem>>) target_semaphore(%run_scoped3A : memref<!tpu.dma_semaphore, #tpu.memory_space<semaphore_mem>>)
        %dma_wait3A = tpu.memref_slice %arg4[%mul3A_26, %mul3A_2] : memref<8192x512xf32, #tpu.memory_space<hbm>> -> memref<256x16xf32, #tpu.memory_space<hbm>>
        %dma_wait3A_29 = tpu.memref_slice %arg4[%mul3A_26, %mul3A_2] : memref<8192x512xf32, #tpu.memory_space<hbm>> -> memref<256x16xf32, #tpu.memory_space<hbm>>
        tpu.wait_dma2 semaphore(%run_scoped3A : memref<!tpu.dma_semaphore, #tpu.memory_space<semaphore_mem>>) src(%dma_wait3A_29 : memref<256x16xf32, #tpu.memory_space<hbm>>) dst(%arg11 : memref<256x16xf32, #tpu.memory_space<vmem>>)
        tpu.yield
      }) : () -> ()
      %scan3A_27 = arith.constant 0 : i32
      scf.yield %scan3A_27 : i32
    }
    %scan3A_22 = arith.constant 32 : i32
    "tpu.region"() ({
      %run_scoped3A = tpu.sem_alloc : memref<!tpu.dma_semaphore, #tpu.memory_space<semaphore_mem>>
      %dma_start3A = arith.constant 0 : i32
      %dma_start3A_23 = tpu.memref_slice %arg10[%dma_start3A, %mul3A_2] : memref<3440x512xf32, #tpu.memory_space<hbm>> -> memref<3440x16xf32, #tpu.memory_space<hbm>>
      %dma_start3A_24 = arith.constant 0 : i32
      %dma_start3A_25 = tpu.memref_slice %arg10[%dma_start3A_24, %mul3A_2] : memref<3440x512xf32, #tpu.memory_space<hbm>> -> memref<3440x16xf32, #tpu.memory_space<hbm>>
      tpu.enqueue_dma source(%arg13 : memref<3440x16xf32, #tpu.memory_space<vmem>>) target(%dma_start3A_25 : memref<3440x16xf32, #tpu.memory_space<hbm>>) target_semaphore(%run_scoped3A : memref<!tpu.dma_semaphore, #tpu.memory_space<semaphore_mem>>)
      %dma_wait3A = arith.constant 0 : i32
      %dma_wait3A_26 = tpu.memref_slice %arg10[%dma_wait3A, %mul3A_2] : memref<3440x512xf32, #tpu.memory_space<hbm>> -> memref<3440x16xf32, #tpu.memory_space<hbm>>
      %dma_wait3A_27 = arith.constant 0 : i32
      %dma_wait3A_28 = tpu.memref_slice %arg10[%dma_wait3A_27, %mul3A_2] : memref<3440x512xf32, #tpu.memory_space<hbm>> -> memref<3440x16xf32, #tpu.memory_space<hbm>>
      tpu.wait_dma2 semaphore(%run_scoped3A : memref<!tpu.dma_semaphore, #tpu.memory_space<semaphore_mem>>) src(%arg13 : memref<3440x16xf32, #tpu.memory_space<vmem>>) dst(%dma_wait3A_28 : memref<3440x16xf32, #tpu.memory_space<hbm>>)
      tpu.yield
    }) : () -> ()
    return
  }
}

module attributes {stable_mosaic.version = 14 : i64} {
  func.func @_stats_kernel(%arg0: i32, %arg1: memref<512x512xf32, #tpu.memory_space<vmem>>, %arg2: memref<512x512xf32, #tpu.memory_space<vmem>>, %arg3: memref<512x512xf32, #tpu.memory_space<vmem>>, %arg4: memref<3440x512xf32, #tpu.memory_space<vmem>>, %arg5: memref<512x512xf32, #tpu.memory_space<vmem>>, %arg6: memref<512x1xi32, #tpu.memory_space<vmem>>, %arg7: memref<1x3440xf32, #tpu.memory_space<vmem>>, %arg8: memref<1x3440xf32, #tpu.memory_space<vmem>>, %arg9: memref<512x512xf32, #tpu.memory_space<vmem>>, %arg10: memref<512x1xi32, #tpu.memory_space<vmem>>, %arg11: memref<1x3440xf32, #tpu.memory_space<vmem>>, %arg12: memref<1x3440xf32, #tpu.memory_space<vmem>>, %arg13: memref<512x512xf32, #tpu.memory_space<vmem>>, %arg14: memref<512x1xi32, #tpu.memory_space<vmem>>, %arg15: memref<1x3440xf32, #tpu.memory_space<vmem>>, %arg16: memref<1x3440xf32, #tpu.memory_space<vmem>>) attributes {dimension_semantics = [#tpu.dimension_semantics<arbitrary>], iteration_bounds = array<i64: 16>, scalar_prefetch = 0 : i64, scratch_operands = 0 : i64, tpu.core_type = #tpu.core_type<tc>, window_params = [{transform_indices = @transform_0, window_bounds = array<i64: 512, 512>}, {transform_indices = @transform_1, window_bounds = array<i64: 512, 512>}, {transform_indices = @transform_2, window_bounds = array<i64: 512, 512>}, {pipeline_mode = #tpu.pipeline_mode<synchronous>, transform_indices = @transform_3, window_bounds = array<i64: 3440, 512>}, {transform_indices = @transform_4, window_bounds = array<i64: 512, 512>}, {transform_indices = @transform_5, window_bounds = array<i64: 512, 1>}, {pipeline_mode = #tpu.pipeline_mode<synchronous>, transform_indices = @transform_6, window_bounds = array<i64: 1, 3440>}, {pipeline_mode = #tpu.pipeline_mode<synchronous>, transform_indices = @transform_7, window_bounds = array<i64: 1, 3440>}, {transform_indices = @transform_8, window_bounds = array<i64: 512, 512>}, {transform_indices = @transform_9, window_bounds = array<i64: 512, 1>}, {pipeline_mode = #tpu.pipeline_mode<synchronous>, transform_indices = @transform_10, window_bounds = array<i64: 1, 3440>}, {pipeline_mode = #tpu.pipeline_mode<synchronous>, transform_indices = @transform_11, window_bounds = array<i64: 1, 3440>}, {transform_indices = @transform_12, window_bounds = array<i64: 512, 512>}, {transform_indices = @transform_13, window_bounds = array<i64: 512, 1>}, {pipeline_mode = #tpu.pipeline_mode<synchronous>, transform_indices = @transform_14, window_bounds = array<i64: 1, 3440>}, {pipeline_mode = #tpu.pipeline_mode<synchronous>, transform_indices = @transform_15, window_bounds = array<i64: 1, 3440>}]} {
    %get3A = arith.constant 0 : index
    %get3A_0 = arith.constant 0 : index
    %get3A_1 = vector.load %arg4[%get3A, %get3A_0] : memref<3440x512xf32, #tpu.memory_space<vmem>>, vector<3440x512xf32>
    %get3A_2 = arith.constant 0 : index
    %get3A_3 = arith.constant 0 : index
    %get3A_4 = vector.load %arg1[%get3A_2, %get3A_3] : memref<512x512xf32, #tpu.memory_space<vmem>>, vector<512x512xf32>
    %mul3A = arith.mulf %get3A_4, %get3A_4 : vector<512x512xf32>
    %reduce_sum3A = arith.constant dense<0.000000e+00> : vector<512xf32>
    %reduce_sum3A_5 = vector.multi_reduction <add>, %mul3A, %reduce_sum3A [1] : vector<512x512xf32> to vector<512xf32>
    %broadcast_in_dim3A = vector.shape_cast %reduce_sum3A_5 : vector<512xf32> to vector<512x1xf32>
    %sqrt3A = math.sqrt %broadcast_in_dim3A : vector<512x1xf32>
    %jit3A = arith.constant 9.99999996E-13 : f32
    %max3A = vector.broadcast %jit3A : f32 to vector<512x1xf32>
    %max3A_6 = arith.maximumf %max3A, %sqrt3A : vector<512x1xf32>
    %div3A = arith.constant 1.000000e+00 : f32
    %div3A_7 = vector.broadcast %div3A : f32 to vector<512x1xf32>
    %div3A_8 = arith.divf %div3A_7, %max3A_6 : vector<512x1xf32>
    %mul3A_9 = vector.broadcast %div3A_8 : vector<512x1xf32> to vector<512x512xf32>
    %mul3A_10 = arith.mulf %get3A_4, %mul3A_9 : vector<512x512xf32>
    %dot_general3A = arith.constant dense<0.000000e+00> : vector<512x3440xf32>
    %dot_general3A_11 = tpu.matmul %mul3A_10, %get3A_1, %dot_general3A {dimension_numbers = #tpu.dot_dimension_numbers<[1], [1], [0], [0], [0, 0, 1, 0], [], []>, transpose_lhs_hint = false} : vector<512x512xf32>, vector<3440x512xf32>, vector<512x3440xf32> -> vector<512x3440xf32>
    %reduce_max3A = arith.constant dense<0xFF800000> : vector<512xf32>
    %reduce_max3A_12 = vector.multi_reduction <maximumf>, %dot_general3A_11, %reduce_max3A [1] : vector<512x3440xf32> to vector<512xf32>
    %broadcast_in_dim3A_13 = vector.shape_cast %reduce_max3A_12 : vector<512xf32> to vector<512x1xf32>
    %iota3A = tpu.iota {dimensions = array<i32: 1>} : vector<512x3440xi32>
    %eq3A = vector.broadcast %broadcast_in_dim3A_13 : vector<512x1xf32> to vector<512x3440xf32>
    %eq3A_14 = arith.cmpf oeq, %dot_general3A_11, %eq3A : vector<512x3440xf32>
    %jit3A_15 = arith.constant 3440 : i32
    %broadcast_in_dim3A_16 = vector.broadcast %jit3A_15 : i32 to vector<512x3440xi32>
    %select_n3A = arith.select %eq3A_14, %iota3A, %broadcast_in_dim3A_16 : vector<512x3440xi1>, vector<512x3440xi32>
    %reduce_min3A = arith.constant dense<2147483647> : vector<512xi32>
    %reduce_min3A_17 = vector.multi_reduction <minsi>, %select_n3A, %reduce_min3A [1] : vector<512x3440xi32> to vector<512xi32>
    %broadcast_in_dim3A_18 = vector.shape_cast %reduce_min3A_17 : vector<512xi32> to vector<512x1xi32>
    %exp3A = math.exp %broadcast_in_dim3A_13 : vector<512x1xf32>
    %mul3A_19 = vector.broadcast %exp3A : vector<512x1xf32> to vector<512x512xf32>
    %mul3A_20 = arith.mulf %mul3A_10, %mul3A_19 : vector<512x512xf32>
    %swap3A = arith.constant 0 : index
    %swap3A_21 = arith.constant 0 : index
    %swap3A_22 = vector.load %arg5[%swap3A, %swap3A_21] : memref<512x512xf32, #tpu.memory_space<vmem>>, vector<512x512xf32>
    tpu.vector_store %arg5[%swap3A, %swap3A_21], %mul3A_20 {strides = array<i32>} : memref<512x512xf32, #tpu.memory_space<vmem>>, vector<512x512xf32>,
    %swap3A_23 = arith.constant 0 : index
    %swap3A_24 = arith.constant 0 : index
    %swap3A_25 = vector.load %arg6[%swap3A_23, %swap3A_24] : memref<512x1xi32, #tpu.memory_space<vmem>>, vector<512x1xi32>
    tpu.vector_store %arg6[%swap3A_23, %swap3A_24], %broadcast_in_dim3A_18 {strides = array<i32>} : memref<512x1xi32, #tpu.memory_space<vmem>>, vector<512x1xi32>,
    %reduce_max3A_26 = arith.constant dense<0xFF800000> : vector<3440xf32>
    %reduce_max3A_27 = vector.multi_reduction <maximumf>, %dot_general3A_11, %reduce_max3A_26 [0] : vector<512x3440xf32> to vector<3440xf32>
    %broadcast_in_dim3A_28 = vector.shape_cast %reduce_max3A_27 : vector<3440xf32> to vector<1x3440xf32>
    %eq3A_29 = vector.broadcast %broadcast_in_dim3A_18 : vector<512x1xi32> to vector<512x3440xi32>
    %eq3A_30 = arith.cmpi eq, %iota3A, %eq3A_29 : vector<512x3440xi32>
    %convert_element_type3A = arith.extui %eq3A_30 : vector<512x3440xi1> to vector<512x3440xi32>
    %convert_element_type3A_31 = arith.sitofp %convert_element_type3A : vector<512x3440xi32> to vector<512x3440xf32>
    %reduce_sum3A_32 = arith.constant dense<0.000000e+00> : vector<3440xf32>
    %reduce_sum3A_33 = vector.multi_reduction <add>, %convert_element_type3A_31, %reduce_sum3A_32 [0] : vector<512x3440xf32> to vector<3440xf32>
    %broadcast_in_dim3A_34 = vector.shape_cast %reduce_sum3A_33 : vector<3440xf32> to vector<1x3440xf32>
    %eq3A_35 = arith.constant 0 : i32
    %eq3A_36 = arith.cmpi eq, %arg0, %eq3A_35 : i32
    %convert_element_type3A_37 = arith.extui %eq3A_36 : i1 to i32
    %cond3A = arith.constant 0 : i32
    %cond3A_38 = arith.cmpi ne, %convert_element_type3A_37, %cond3A : i32
    scf.if %cond3A_38 {
      %swap3A_161 = arith.constant 0 : index
      %swap3A_162 = arith.constant 0 : index
      %swap3A_163 = vector.load %arg7[%swap3A_161, %swap3A_162] : memref<1x3440xf32, #tpu.memory_space<vmem>>, vector<1x3440xf32>
      tpu.vector_store %arg7[%swap3A_161, %swap3A_162], %broadcast_in_dim3A_28 {strides = array<i32>} : memref<1x3440xf32, #tpu.memory_space<vmem>>, vector<1x3440xf32>,
      %swap3A_164 = arith.constant 0 : index
      %swap3A_165 = arith.constant 0 : index
      %swap3A_166 = vector.load %arg8[%swap3A_164, %swap3A_165] : memref<1x3440xf32, #tpu.memory_space<vmem>>, vector<1x3440xf32>
      tpu.vector_store %arg8[%swap3A_164, %swap3A_165], %broadcast_in_dim3A_34 {strides = array<i32>} : memref<1x3440xf32, #tpu.memory_space<vmem>>, vector<1x3440xf32>,
    } else {
    }
    %ne3A = arith.constant 0 : i32
    %ne3A_39 = arith.cmpi ne, %arg0, %ne3A : i32
    %convert_element_type3A_40 = arith.extui %ne3A_39 : i1 to i32
    %cond3A_41 = arith.constant 0 : i32
    %cond3A_42 = arith.cmpi ne, %convert_element_type3A_40, %cond3A_41 : i32
    scf.if %cond3A_42 {
      %get3A_161 = arith.constant 0 : index
      %get3A_162 = arith.constant 0 : index
      %get3A_163 = vector.load %arg7[%get3A_161, %get3A_162] : memref<1x3440xf32, #tpu.memory_space<vmem>>, vector<1x3440xf32>
      %max3A_164 = arith.maximumf %get3A_163, %broadcast_in_dim3A_28 : vector<1x3440xf32>
      %swap3A_165 = arith.constant 0 : index
      %swap3A_166 = arith.constant 0 : index
      %swap3A_167 = vector.load %arg7[%swap3A_165, %swap3A_166] : memref<1x3440xf32, #tpu.memory_space<vmem>>, vector<1x3440xf32>
      tpu.vector_store %arg7[%swap3A_165, %swap3A_166], %max3A_164 {strides = array<i32>} : memref<1x3440xf32, #tpu.memory_space<vmem>>, vector<1x3440xf32>,
      %get3A_168 = arith.constant 0 : index
      %get3A_169 = arith.constant 0 : index
      %get3A_170 = vector.load %arg8[%get3A_168, %get3A_169] : memref<1x3440xf32, #tpu.memory_space<vmem>>, vector<1x3440xf32>
      %add3A = arith.addf %get3A_170, %broadcast_in_dim3A_34 : vector<1x3440xf32>
      %swap3A_171 = arith.constant 0 : index
      %swap3A_172 = arith.constant 0 : index
      %swap3A_173 = vector.load %arg8[%swap3A_171, %swap3A_172] : memref<1x3440xf32, #tpu.memory_space<vmem>>, vector<1x3440xf32>
      tpu.vector_store %arg8[%swap3A_171, %swap3A_172], %add3A {strides = array<i32>} : memref<1x3440xf32, #tpu.memory_space<vmem>>, vector<1x3440xf32>,
    } else {
    }
    %get3A_43 = arith.constant 0 : index
    %get3A_44 = arith.constant 0 : index
    %get3A_45 = vector.load %arg2[%get3A_43, %get3A_44] : memref<512x512xf32, #tpu.memory_space<vmem>>, vector<512x512xf32>
    %mul3A_46 = arith.mulf %get3A_45, %get3A_45 : vector<512x512xf32>
    %reduce_sum3A_47 = arith.constant dense<0.000000e+00> : vector<512xf32>
    %reduce_sum3A_48 = vector.multi_reduction <add>, %mul3A_46, %reduce_sum3A_47 [1] : vector<512x512xf32> to vector<512xf32>
    %broadcast_in_dim3A_49 = vector.shape_cast %reduce_sum3A_48 : vector<512xf32> to vector<512x1xf32>
    %sqrt3A_50 = math.sqrt %broadcast_in_dim3A_49 : vector<512x1xf32>
    %jit3A_51 = arith.constant 9.99999996E-13 : f32
    %max3A_52 = vector.broadcast %jit3A_51 : f32 to vector<512x1xf32>
    %max3A_53 = arith.maximumf %max3A_52, %sqrt3A_50 : vector<512x1xf32>
    %div3A_54 = arith.constant 1.000000e+00 : f32
    %div3A_55 = vector.broadcast %div3A_54 : f32 to vector<512x1xf32>
    %div3A_56 = arith.divf %div3A_55, %max3A_53 : vector<512x1xf32>
    %mul3A_57 = vector.broadcast %div3A_56 : vector<512x1xf32> to vector<512x512xf32>
    %mul3A_58 = arith.mulf %get3A_45, %mul3A_57 : vector<512x512xf32>
    %dot_general3A_59 = arith.constant dense<0.000000e+00> : vector<512x3440xf32>
    %dot_general3A_60 = tpu.matmul %mul3A_58, %get3A_1, %dot_general3A_59 {dimension_numbers = #tpu.dot_dimension_numbers<[1], [1], [0], [0], [0, 0, 1, 0], [], []>, transpose_lhs_hint = false} : vector<512x512xf32>, vector<3440x512xf32>, vector<512x3440xf32> -> vector<512x3440xf32>
    %reduce_max3A_61 = arith.constant dense<0xFF800000> : vector<512xf32>
    %reduce_max3A_62 = vector.multi_reduction <maximumf>, %dot_general3A_60, %reduce_max3A_61 [1] : vector<512x3440xf32> to vector<512xf32>
    %broadcast_in_dim3A_63 = vector.shape_cast %reduce_max3A_62 : vector<512xf32> to vector<512x1xf32>
    %iota3A_64 = tpu.iota {dimensions = array<i32: 1>} : vector<512x3440xi32>
    %eq3A_65 = vector.broadcast %broadcast_in_dim3A_63 : vector<512x1xf32> to vector<512x3440xf32>
    %eq3A_66 = arith.cmpf oeq, %dot_general3A_60, %eq3A_65 : vector<512x3440xf32>
    %jit3A_67 = arith.constant 3440 : i32
    %broadcast_in_dim3A_68 = vector.broadcast %jit3A_67 : i32 to vector<512x3440xi32>
    %select_n3A_69 = arith.select %eq3A_66, %iota3A_64, %broadcast_in_dim3A_68 : vector<512x3440xi1>, vector<512x3440xi32>
    %reduce_min3A_70 = arith.constant dense<2147483647> : vector<512xi32>
    %reduce_min3A_71 = vector.multi_reduction <minsi>, %select_n3A_69, %reduce_min3A_70 [1] : vector<512x3440xi32> to vector<512xi32>
    %broadcast_in_dim3A_72 = vector.shape_cast %reduce_min3A_71 : vector<512xi32> to vector<512x1xi32>
    %exp3A_73 = math.exp %broadcast_in_dim3A_63 : vector<512x1xf32>
    %mul3A_74 = vector.broadcast %exp3A_73 : vector<512x1xf32> to vector<512x512xf32>
    %mul3A_75 = arith.mulf %mul3A_58, %mul3A_74 : vector<512x512xf32>
    %swap3A_76 = arith.constant 0 : index
    %swap3A_77 = arith.constant 0 : index
    %swap3A_78 = vector.load %arg9[%swap3A_76, %swap3A_77] : memref<512x512xf32, #tpu.memory_space<vmem>>, vector<512x512xf32>
    tpu.vector_store %arg9[%swap3A_76, %swap3A_77], %mul3A_75 {strides = array<i32>} : memref<512x512xf32, #tpu.memory_space<vmem>>, vector<512x512xf32>,
    %swap3A_79 = arith.constant 0 : index
    %swap3A_80 = arith.constant 0 : index
    %swap3A_81 = vector.load %arg10[%swap3A_79, %swap3A_80] : memref<512x1xi32, #tpu.memory_space<vmem>>, vector<512x1xi32>
    tpu.vector_store %arg10[%swap3A_79, %swap3A_80], %broadcast_in_dim3A_72 {strides = array<i32>} : memref<512x1xi32, #tpu.memory_space<vmem>>, vector<512x1xi32>,
    %reduce_max3A_82 = arith.constant dense<0xFF800000> : vector<3440xf32>
    %reduce_max3A_83 = vector.multi_reduction <maximumf>, %dot_general3A_60, %reduce_max3A_82 [0] : vector<512x3440xf32> to vector<3440xf32>
    %broadcast_in_dim3A_84 = vector.shape_cast %reduce_max3A_83 : vector<3440xf32> to vector<1x3440xf32>
    %eq3A_85 = vector.broadcast %broadcast_in_dim3A_72 : vector<512x1xi32> to vector<512x3440xi32>
    %eq3A_86 = arith.cmpi eq, %iota3A_64, %eq3A_85 : vector<512x3440xi32>
    %convert_element_type3A_87 = arith.extui %eq3A_86 : vector<512x3440xi1> to vector<512x3440xi32>
    %convert_element_type3A_88 = arith.sitofp %convert_element_type3A_87 : vector<512x3440xi32> to vector<512x3440xf32>
    %reduce_sum3A_89 = arith.constant dense<0.000000e+00> : vector<3440xf32>
    %reduce_sum3A_90 = vector.multi_reduction <add>, %convert_element_type3A_88, %reduce_sum3A_89 [0] : vector<512x3440xf32> to vector<3440xf32>
    %broadcast_in_dim3A_91 = vector.shape_cast %reduce_sum3A_90 : vector<3440xf32> to vector<1x3440xf32>
    %eq3A_92 = arith.constant 0 : i32
    %eq3A_93 = arith.cmpi eq, %arg0, %eq3A_92 : i32
    %convert_element_type3A_94 = arith.extui %eq3A_93 : i1 to i32
    %cond3A_95 = arith.constant 0 : i32
    %cond3A_96 = arith.cmpi ne, %convert_element_type3A_94, %cond3A_95 : i32
    scf.if %cond3A_96 {
      %swap3A_161 = arith.constant 0 : index
      %swap3A_162 = arith.constant 0 : index
      %swap3A_163 = vector.load %arg11[%swap3A_161, %swap3A_162] : memref<1x3440xf32, #tpu.memory_space<vmem>>, vector<1x3440xf32>
      tpu.vector_store %arg11[%swap3A_161, %swap3A_162], %broadcast_in_dim3A_84 {strides = array<i32>} : memref<1x3440xf32, #tpu.memory_space<vmem>>, vector<1x3440xf32>,
      %swap3A_164 = arith.constant 0 : index
      %swap3A_165 = arith.constant 0 : index
      %swap3A_166 = vector.load %arg12[%swap3A_164, %swap3A_165] : memref<1x3440xf32, #tpu.memory_space<vmem>>, vector<1x3440xf32>
      tpu.vector_store %arg12[%swap3A_164, %swap3A_165], %broadcast_in_dim3A_91 {strides = array<i32>} : memref<1x3440xf32, #tpu.memory_space<vmem>>, vector<1x3440xf32>,
    } else {
    }
    %ne3A_97 = arith.constant 0 : i32
    %ne3A_98 = arith.cmpi ne, %arg0, %ne3A_97 : i32
    %convert_element_type3A_99 = arith.extui %ne3A_98 : i1 to i32
    %cond3A_100 = arith.constant 0 : i32
    %cond3A_101 = arith.cmpi ne, %convert_element_type3A_99, %cond3A_100 : i32
    scf.if %cond3A_101 {
      %get3A_161 = arith.constant 0 : index
      %get3A_162 = arith.constant 0 : index
      %get3A_163 = vector.load %arg11[%get3A_161, %get3A_162] : memref<1x3440xf32, #tpu.memory_space<vmem>>, vector<1x3440xf32>
      %max3A_164 = arith.maximumf %get3A_163, %broadcast_in_dim3A_84 : vector<1x3440xf32>
      %swap3A_165 = arith.constant 0 : index
      %swap3A_166 = arith.constant 0 : index
      %swap3A_167 = vector.load %arg11[%swap3A_165, %swap3A_166] : memref<1x3440xf32, #tpu.memory_space<vmem>>, vector<1x3440xf32>
      tpu.vector_store %arg11[%swap3A_165, %swap3A_166], %max3A_164 {strides = array<i32>} : memref<1x3440xf32, #tpu.memory_space<vmem>>, vector<1x3440xf32>,
      %get3A_168 = arith.constant 0 : index
      %get3A_169 = arith.constant 0 : index
      %get3A_170 = vector.load %arg12[%get3A_168, %get3A_169] : memref<1x3440xf32, #tpu.memory_space<vmem>>, vector<1x3440xf32>
      %add3A = arith.addf %get3A_170, %broadcast_in_dim3A_91 : vector<1x3440xf32>
      %swap3A_171 = arith.constant 0 : index
      %swap3A_172 = arith.constant 0 : index
      %swap3A_173 = vector.load %arg12[%swap3A_171, %swap3A_172] : memref<1x3440xf32, #tpu.memory_space<vmem>>, vector<1x3440xf32>
      tpu.vector_store %arg12[%swap3A_171, %swap3A_172], %add3A {strides = array<i32>} : memref<1x3440xf32, #tpu.memory_space<vmem>>, vector<1x3440xf32>,
    } else {
    }
    %get3A_102 = arith.constant 0 : index
    %get3A_103 = arith.constant 0 : index
    %get3A_104 = vector.load %arg3[%get3A_102, %get3A_103] : memref<512x512xf32, #tpu.memory_space<vmem>>, vector<512x512xf32>
    %mul3A_105 = arith.mulf %get3A_104, %get3A_104 : vector<512x512xf32>
    %reduce_sum3A_106 = arith.constant dense<0.000000e+00> : vector<512xf32>
    %reduce_sum3A_107 = vector.multi_reduction <add>, %mul3A_105, %reduce_sum3A_106 [1] : vector<512x512xf32> to vector<512xf32>
    %broadcast_in_dim3A_108 = vector.shape_cast %reduce_sum3A_107 : vector<512xf32> to vector<512x1xf32>
    %sqrt3A_109 = math.sqrt %broadcast_in_dim3A_108 : vector<512x1xf32>
    %jit3A_110 = arith.constant 9.99999996E-13 : f32
    %max3A_111 = vector.broadcast %jit3A_110 : f32 to vector<512x1xf32>
    %max3A_112 = arith.maximumf %max3A_111, %sqrt3A_109 : vector<512x1xf32>
    %div3A_113 = arith.constant 1.000000e+00 : f32
    %div3A_114 = vector.broadcast %div3A_113 : f32 to vector<512x1xf32>
    %div3A_115 = arith.divf %div3A_114, %max3A_112 : vector<512x1xf32>
    %mul3A_116 = vector.broadcast %div3A_115 : vector<512x1xf32> to vector<512x512xf32>
    %mul3A_117 = arith.mulf %get3A_104, %mul3A_116 : vector<512x512xf32>
    %dot_general3A_118 = arith.constant dense<0.000000e+00> : vector<512x3440xf32>
    %dot_general3A_119 = tpu.matmul %mul3A_117, %get3A_1, %dot_general3A_118 {dimension_numbers = #tpu.dot_dimension_numbers<[1], [1], [0], [0], [0, 0, 1, 0], [], []>, transpose_lhs_hint = false} : vector<512x512xf32>, vector<3440x512xf32>, vector<512x3440xf32> -> vector<512x3440xf32>
    %reduce_max3A_120 = arith.constant dense<0xFF800000> : vector<512xf32>
    %reduce_max3A_121 = vector.multi_reduction <maximumf>, %dot_general3A_119, %reduce_max3A_120 [1] : vector<512x3440xf32> to vector<512xf32>
    %broadcast_in_dim3A_122 = vector.shape_cast %reduce_max3A_121 : vector<512xf32> to vector<512x1xf32>
    %iota3A_123 = tpu.iota {dimensions = array<i32: 1>} : vector<512x3440xi32>
    %eq3A_124 = vector.broadcast %broadcast_in_dim3A_122 : vector<512x1xf32> to vector<512x3440xf32>
    %eq3A_125 = arith.cmpf oeq, %dot_general3A_119, %eq3A_124 : vector<512x3440xf32>
    %jit3A_126 = arith.constant 3440 : i32
    %broadcast_in_dim3A_127 = vector.broadcast %jit3A_126 : i32 to vector<512x3440xi32>
    %select_n3A_128 = arith.select %eq3A_125, %iota3A_123, %broadcast_in_dim3A_127 : vector<512x3440xi1>, vector<512x3440xi32>
    %reduce_min3A_129 = arith.constant dense<2147483647> : vector<512xi32>
    %reduce_min3A_130 = vector.multi_reduction <minsi>, %select_n3A_128, %reduce_min3A_129 [1] : vector<512x3440xi32> to vector<512xi32>
    %broadcast_in_dim3A_131 = vector.shape_cast %reduce_min3A_130 : vector<512xi32> to vector<512x1xi32>
    %exp3A_132 = math.exp %broadcast_in_dim3A_122 : vector<512x1xf32>
    %mul3A_133 = vector.broadcast %exp3A_132 : vector<512x1xf32> to vector<512x512xf32>
    %mul3A_134 = arith.mulf %mul3A_117, %mul3A_133 : vector<512x512xf32>
    %swap3A_135 = arith.constant 0 : index
    %swap3A_136 = arith.constant 0 : index
    %swap3A_137 = vector.load %arg13[%swap3A_135, %swap3A_136] : memref<512x512xf32, #tpu.memory_space<vmem>>, vector<512x512xf32>
    tpu.vector_store %arg13[%swap3A_135, %swap3A_136], %mul3A_134 {strides = array<i32>} : memref<512x512xf32, #tpu.memory_space<vmem>>, vector<512x512xf32>,
    %swap3A_138 = arith.constant 0 : index
    %swap3A_139 = arith.constant 0 : index
    %swap3A_140 = vector.load %arg14[%swap3A_138, %swap3A_139] : memref<512x1xi32, #tpu.memory_space<vmem>>, vector<512x1xi32>
    tpu.vector_store %arg14[%swap3A_138, %swap3A_139], %broadcast_in_dim3A_131 {strides = array<i32>} : memref<512x1xi32, #tpu.memory_space<vmem>>, vector<512x1xi32>,
    %reduce_max3A_141 = arith.constant dense<0xFF800000> : vector<3440xf32>
    %reduce_max3A_142 = vector.multi_reduction <maximumf>, %dot_general3A_119, %reduce_max3A_141 [0] : vector<512x3440xf32> to vector<3440xf32>
    %broadcast_in_dim3A_143 = vector.shape_cast %reduce_max3A_142 : vector<3440xf32> to vector<1x3440xf32>
    %eq3A_144 = vector.broadcast %broadcast_in_dim3A_131 : vector<512x1xi32> to vector<512x3440xi32>
    %eq3A_145 = arith.cmpi eq, %iota3A_123, %eq3A_144 : vector<512x3440xi32>
    %convert_element_type3A_146 = arith.extui %eq3A_145 : vector<512x3440xi1> to vector<512x3440xi32>
    %convert_element_type3A_147 = arith.sitofp %convert_element_type3A_146 : vector<512x3440xi32> to vector<512x3440xf32>
    %reduce_sum3A_148 = arith.constant dense<0.000000e+00> : vector<3440xf32>
    %reduce_sum3A_149 = vector.multi_reduction <add>, %convert_element_type3A_147, %reduce_sum3A_148 [0] : vector<512x3440xf32> to vector<3440xf32>
    %broadcast_in_dim3A_150 = vector.shape_cast %reduce_sum3A_149 : vector<3440xf32> to vector<1x3440xf32>
    %eq3A_151 = arith.constant 0 : i32
    %eq3A_152 = arith.cmpi eq, %arg0, %eq3A_151 : i32
    %convert_element_type3A_153 = arith.extui %eq3A_152 : i1 to i32
    %cond3A_154 = arith.constant 0 : i32
    %cond3A_155 = arith.cmpi ne, %convert_element_type3A_153, %cond3A_154 : i32
    scf.if %cond3A_155 {
      %swap3A_161 = arith.constant 0 : index
      %swap3A_162 = arith.constant 0 : index
      %swap3A_163 = vector.load %arg15[%swap3A_161, %swap3A_162] : memref<1x3440xf32, #tpu.memory_space<vmem>>, vector<1x3440xf32>
      tpu.vector_store %arg15[%swap3A_161, %swap3A_162], %broadcast_in_dim3A_143 {strides = array<i32>} : memref<1x3440xf32, #tpu.memory_space<vmem>>, vector<1x3440xf32>,
      %swap3A_164 = arith.constant 0 : index
      %swap3A_165 = arith.constant 0 : index
      %swap3A_166 = vector.load %arg16[%swap3A_164, %swap3A_165] : memref<1x3440xf32, #tpu.memory_space<vmem>>, vector<1x3440xf32>
      tpu.vector_store %arg16[%swap3A_164, %swap3A_165], %broadcast_in_dim3A_150 {strides = array<i32>} : memref<1x3440xf32, #tpu.memory_space<vmem>>, vector<1x3440xf32>,
    } else {
    }
    %ne3A_156 = arith.constant 0 : i32
    %ne3A_157 = arith.cmpi ne, %arg0, %ne3A_156 : i32
    %convert_element_type3A_158 = arith.extui %ne3A_157 : i1 to i32
    %cond3A_159 = arith.constant 0 : i32
    %cond3A_160 = arith.cmpi ne, %convert_element_type3A_158, %cond3A_159 : i32
    scf.if %cond3A_160 {
      %get3A_161 = arith.constant 0 : index
      %get3A_162 = arith.constant 0 : index
      %get3A_163 = vector.load %arg15[%get3A_161, %get3A_162] : memref<1x3440xf32, #tpu.memory_space<vmem>>, vector<1x3440xf32>
      %max3A_164 = arith.maximumf %get3A_163, %broadcast_in_dim3A_143 : vector<1x3440xf32>
      %swap3A_165 = arith.constant 0 : index
      %swap3A_166 = arith.constant 0 : index
      %swap3A_167 = vector.load %arg15[%swap3A_165, %swap3A_166] : memref<1x3440xf32, #tpu.memory_space<vmem>>, vector<1x3440xf32>
      tpu.vector_store %arg15[%swap3A_165, %swap3A_166], %max3A_164 {strides = array<i32>} : memref<1x3440xf32, #tpu.memory_space<vmem>>, vector<1x3440xf32>,
      %get3A_168 = arith.constant 0 : index
      %get3A_169 = arith.constant 0 : index
      %get3A_170 = vector.load %arg16[%get3A_168, %get3A_169] : memref<1x3440xf32, #tpu.memory_space<vmem>>, vector<1x3440xf32>
      %add3A = arith.addf %get3A_170, %broadcast_in_dim3A_150 : vector<1x3440xf32>
      %swap3A_171 = arith.constant 0 : index
      %swap3A_172 = arith.constant 0 : index
      %swap3A_173 = vector.load %arg16[%swap3A_171, %swap3A_172] : memref<1x3440xf32, #tpu.memory_space<vmem>>, vector<1x3440xf32>
      tpu.vector_store %arg16[%swap3A_171, %swap3A_172], %add3A {strides = array<i32>} : memref<1x3440xf32, #tpu.memory_space<vmem>>, vector<1x3440xf32>,
    } else {
    }
    return
  }
  func.func @transform_0(%arg0: i32) -> (i32, i32) {
    %c0_i32 = arith.constant 0 : i32
    %c0_i32_0 = arith.constant 0 : i32
    return %arg0, %c0_i32 : i32, i32
  }
  func.func @transform_1(%arg0: i32) -> (i32, i32) {
    %c0_i32 = arith.constant 0 : i32
    %c0_i32_0 = arith.constant 0 : i32
    return %arg0, %c0_i32 : i32, i32
  }
  func.func @transform_2(%arg0: i32) -> (i32, i32) {
    %c0_i32 = arith.constant 0 : i32
    %c0_i32_0 = arith.constant 0 : i32
    return %arg0, %c0_i32 : i32, i32
  }
  func.func @transform_3(%arg0: i32) -> (i32, i32) {
    %c0_i32 = arith.constant 0 : i32
    %c0_i32_0 = arith.constant 0 : i32
    %c0_i32_1 = arith.constant 0 : i32
    return %c0_i32, %c0_i32_0 : i32, i32
  }
  func.func @transform_4(%arg0: i32) -> (i32, i32) {
    %c0_i32 = arith.constant 0 : i32
    %c0_i32_0 = arith.constant 0 : i32
    return %arg0, %c0_i32 : i32, i32
  }
  func.func @transform_5(%arg0: i32) -> (i32, i32) {
    %c0_i32 = arith.constant 0 : i32
    %c0_i32_0 = arith.constant 0 : i32
    return %arg0, %c0_i32 : i32, i32
  }
  func.func @transform_6(%arg0: i32) -> (i32, i32) {
    %c0_i32 = arith.constant 0 : i32
    %c0_i32_0 = arith.constant 0 : i32
    %c0_i32_1 = arith.constant 0 : i32
    return %c0_i32, %c0_i32_0 : i32, i32
  }
  func.func @transform_7(%arg0: i32) -> (i32, i32) {
    %c0_i32 = arith.constant 0 : i32
    %c0_i32_0 = arith.constant 0 : i32
    %c0_i32_1 = arith.constant 0 : i32
    return %c0_i32, %c0_i32_0 : i32, i32
  }
  func.func @transform_8(%arg0: i32) -> (i32, i32) {
    %c0_i32 = arith.constant 0 : i32
    %c0_i32_0 = arith.constant 0 : i32
    return %arg0, %c0_i32 : i32, i32
  }
  func.func @transform_9(%arg0: i32) -> (i32, i32) {
    %c0_i32 = arith.constant 0 : i32
    %c0_i32_0 = arith.constant 0 : i32
    return %arg0, %c0_i32 : i32, i32
  }
  func.func @transform_10(%arg0: i32) -> (i32, i32) {
    %c0_i32 = arith.constant 0 : i32
    %c0_i32_0 = arith.constant 0 : i32
    %c0_i32_1 = arith.constant 0 : i32
    return %c0_i32, %c0_i32_0 : i32, i32
  }
  func.func @transform_11(%arg0: i32) -> (i32, i32) {
    %c0_i32 = arith.constant 0 : i32
    %c0_i32_0 = arith.constant 0 : i32
    %c0_i32_1 = arith.constant 0 : i32
    return %c0_i32, %c0_i32_0 : i32, i32
  }
  func.func @transform_12(%arg0: i32) -> (i32, i32) {
    %c0_i32 = arith.constant 0 : i32
    %c0_i32_0 = arith.constant 0 : i32
    return %arg0, %c0_i32 : i32, i32
  }
  func.func @transform_13(%arg0: i32) -> (i32, i32) {
    %c0_i32 = arith.constant 0 : i32
    %c0_i32_0 = arith.constant 0 : i32
    return %arg0, %c0_i32 : i32, i32
  }
  func.func @transform_14(%arg0: i32) -> (i32, i32) {
    %c0_i32 = arith.constant 0 : i32
    %c0_i32_0 = arith.constant 0 : i32
    %c0_i32_1 = arith.constant 0 : i32
    return %c0_i32, %c0_i32_0 : i32, i32
  }
  func.func @transform_15(%arg0: i32) -> (i32, i32) {
    %c0_i32 = arith.constant 0 : i32
    %c0_i32_0 = arith.constant 0 : i32
    %c0_i32_1 = arith.constant 0 : i32
    return %c0_i32, %c0_i32_0 : i32, i32
  }
}

module attributes {stable_mosaic.version = 14 : i64} {
  func.func @_read_kernel(%arg0: i32, %arg1: memref<512x512xf32, #tpu.memory_space<vmem>>, %arg2: memref<3440x512xf32, #tpu.memory_space<vmem>>, %arg3: memref<512x512xf32, #tpu.memory_space<vmem>>, %arg4: memref<512x512xf32, #tpu.memory_space<vmem>>, %arg5: memref<512x512xf32, #tpu.memory_space<vmem>>, %arg6: memref<1x1xf32, #tpu.memory_space<vmem>>) attributes {dimension_semantics = [#tpu.dimension_semantics<arbitrary>], iteration_bounds = array<i64: 16>, scalar_prefetch = 0 : i64, scratch_operands = 0 : i64, tpu.core_type = #tpu.core_type<tc>, window_params = [{transform_indices = @transform_0, window_bounds = array<i64: 512, 512>}, {pipeline_mode = #tpu.pipeline_mode<synchronous>, transform_indices = @transform_1, window_bounds = array<i64: 3440, 512>}, {pipeline_mode = #tpu.pipeline_mode<synchronous>, transform_indices = @transform_2, window_bounds = array<i64: 512, 512>}, {pipeline_mode = #tpu.pipeline_mode<synchronous>, transform_indices = @transform_3, window_bounds = array<i64: 512, 512>}, {transform_indices = @transform_4, window_bounds = array<i64: 512, 512>}, {pipeline_mode = #tpu.pipeline_mode<synchronous>, transform_indices = @transform_5, window_bounds = array<i64: 1, 1>}]} {
    %get3A = arith.constant 0 : index
    %get3A_0 = arith.constant 0 : index
    %get3A_1 = vector.load %arg2[%get3A, %get3A_0] : memref<3440x512xf32, #tpu.memory_space<vmem>>, vector<3440x512xf32>
    %get3A_2 = arith.constant 0 : index
    %get3A_3 = arith.constant 0 : index
    %get3A_4 = vector.load %arg1[%get3A_2, %get3A_3] : memref<512x512xf32, #tpu.memory_space<vmem>>, vector<512x512xf32>
    %mul3A = arith.mulf %get3A_4, %get3A_4 : vector<512x512xf32>
    %reduce_sum3A = arith.constant dense<0.000000e+00> : vector<512xf32>
    %reduce_sum3A_5 = vector.multi_reduction <add>, %mul3A, %reduce_sum3A [1] : vector<512x512xf32> to vector<512xf32>
    %broadcast_in_dim3A = vector.shape_cast %reduce_sum3A_5 : vector<512xf32> to vector<512x1xf32>
    %sqrt3A = math.sqrt %broadcast_in_dim3A : vector<512x1xf32>
    %jit3A = arith.constant 9.99999996E-13 : f32
    %max3A = vector.broadcast %jit3A : f32 to vector<512x1xf32>
    %max3A_6 = arith.maximumf %max3A, %sqrt3A : vector<512x1xf32>
    %div3A = vector.broadcast %max3A_6 : vector<512x1xf32> to vector<512x512xf32>
    %div3A_7 = arith.divf %get3A_4, %div3A : vector<512x512xf32>
    %dot_general3A = arith.constant dense<0.000000e+00> : vector<512x3440xf32>
    %dot_general3A_8 = tpu.matmul %div3A_7, %get3A_1, %dot_general3A {dimension_numbers = #tpu.dot_dimension_numbers<[1], [1], [0], [0], [0, 0, 1, 0], [], []>, transpose_lhs_hint = false} : vector<512x512xf32>, vector<3440x512xf32>, vector<512x3440xf32> -> vector<512x3440xf32>
    %reduce_max3A = arith.constant dense<0xFF800000> : vector<512xf32>
    %reduce_max3A_9 = vector.multi_reduction <maximumf>, %dot_general3A_8, %reduce_max3A [1] : vector<512x3440xf32> to vector<512xf32>
    %broadcast_in_dim3A_10 = vector.shape_cast %reduce_max3A_9 : vector<512xf32> to vector<512x1xf32>
    %sub3A = vector.broadcast %broadcast_in_dim3A_10 : vector<512x1xf32> to vector<512x3440xf32>
    %sub3A_11 = arith.subf %dot_general3A_8, %sub3A : vector<512x3440xf32>
    %exp3A = math.exp %sub3A_11 : vector<512x3440xf32>
    %reduce_sum3A_12 = arith.constant dense<0.000000e+00> : vector<512xf32>
    %reduce_sum3A_13 = vector.multi_reduction <add>, %exp3A, %reduce_sum3A_12 [1] : vector<512x3440xf32> to vector<512xf32>
    %broadcast_in_dim3A_14 = vector.shape_cast %reduce_sum3A_13 : vector<512xf32> to vector<512x1xf32>
    %div3A_15 = vector.broadcast %broadcast_in_dim3A_14 : vector<512x1xf32> to vector<512x3440xf32>
    %div3A_16 = arith.divf %exp3A, %div3A_15 : vector<512x3440xf32>
    %dot_general3A_17 = arith.constant dense<0.000000e+00> : vector<512x512xf32>
    %dot_general3A_18 = tpu.matmul %div3A_16, %get3A_1, %dot_general3A_17 {dimension_numbers = #tpu.dot_dimension_numbers<[1], [0], [0], [1], [0, 0, 1, 1], [], []>, transpose_lhs_hint = false} : vector<512x3440xf32>, vector<3440x512xf32>, vector<512x512xf32> -> vector<512x512xf32>
    %get3A_19 = arith.constant 0 : index
    %get3A_20 = arith.constant 0 : index
    %get3A_21 = vector.load %arg3[%get3A_19, %get3A_20] : memref<512x512xf32, #tpu.memory_space<vmem>>, vector<512x512xf32>
    %dot_general3A_22 = arith.constant dense<0.000000e+00> : vector<512x512xf32>
    %dot_general3A_23 = tpu.matmul %get3A_4, %get3A_21, %dot_general3A_22 {dimension_numbers = #tpu.dot_dimension_numbers<[1], [1], [0], [0], [0, 0, 1, 0], [], []>, transpose_lhs_hint = false} : vector<512x512xf32>, vector<512x512xf32>, vector<512x512xf32> -> vector<512x512xf32>
    %get3A_24 = arith.constant 0 : index
    %get3A_25 = arith.constant 0 : index
    %get3A_26 = vector.load %arg4[%get3A_24, %get3A_25] : memref<512x512xf32, #tpu.memory_space<vmem>>, vector<512x512xf32>
    %dot_general3A_27 = arith.constant dense<0.000000e+00> : vector<512x512xf32>
    %dot_general3A_28 = tpu.matmul %dot_general3A_18, %get3A_26, %dot_general3A_27 {dimension_numbers = #tpu.dot_dimension_numbers<[1], [1], [0], [0], [0, 0, 1, 0], [], []>, transpose_lhs_hint = false} : vector<512x512xf32>, vector<512x512xf32>, vector<512x512xf32> -> vector<512x512xf32>
    %add3A = arith.addf %dot_general3A_23, %dot_general3A_28 : vector<512x512xf32>
    %mul3A_29 = arith.constant 2.000000e-01 : f32
    %mul3A_30 = vector.broadcast %mul3A_29 : f32 to vector<512x512xf32>
    %mul3A_31 = arith.mulf %mul3A_30, %add3A : vector<512x512xf32>
    %add3A_32 = arith.addf %mul3A_31, %get3A_4 : vector<512x512xf32>
    %swap3A = arith.constant 0 : index
    %swap3A_33 = arith.constant 0 : index
    %swap3A_34 = vector.load %arg5[%swap3A, %swap3A_33] : memref<512x512xf32, #tpu.memory_space<vmem>>, vector<512x512xf32>
    tpu.vector_store %arg5[%swap3A, %swap3A_33], %add3A_32 {strides = array<i32>} : memref<512x512xf32, #tpu.memory_space<vmem>>, vector<512x512xf32>,
    %mul3A_35 = arith.mulf %add3A_32, %add3A_32 : vector<512x512xf32>
    %reduce_sum3A_36 = arith.constant dense<0.000000e+00> : vector<512xf32>
    %reduce_sum3A_37 = vector.multi_reduction <add>, %mul3A_35, %reduce_sum3A_36 [1] : vector<512x512xf32> to vector<512xf32>
    %broadcast_in_dim3A_38 = vector.shape_cast %reduce_sum3A_37 : vector<512xf32> to vector<512x1xf32>
    %sqrt3A_39 = math.sqrt %broadcast_in_dim3A_38 : vector<512x1xf32>
    %jit3A_40 = arith.constant 9.99999996E-13 : f32
    %max3A_41 = vector.broadcast %jit3A_40 : f32 to vector<512x1xf32>
    %max3A_42 = arith.maximumf %max3A_41, %sqrt3A_39 : vector<512x1xf32>
    %div3A_43 = vector.broadcast %max3A_42 : vector<512x1xf32> to vector<512x512xf32>
    %div3A_44 = arith.divf %add3A_32, %div3A_43 : vector<512x512xf32>
    %sub3A_45 = arith.subf %div3A_44, %get3A_4 : vector<512x512xf32>
    %abs3A = math.absf %sub3A_45 : vector<512x512xf32>
    %reduce_sum3A_46 = arith.constant dense<0.000000e+00> : vector<512xf32>
    %reduce_sum3A_47 = vector.multi_reduction <add>, %abs3A, %reduce_sum3A_46 [1] : vector<512x512xf32> to vector<512xf32>
    %broadcast_in_dim3A_48 = vector.shape_cast %reduce_sum3A_47 : vector<512xf32> to vector<512x1xf32>
    %reduce_sum3A_49 = arith.constant dense<0.000000e+00> : vector<1xf32>
    %reduce_sum3A_50 = vector.multi_reduction <add>, %broadcast_in_dim3A_48, %reduce_sum3A_49 [0] : vector<512x1xf32> to vector<1xf32>
    %broadcast_in_dim3A_51 = vector.shape_cast %reduce_sum3A_50 : vector<1xf32> to vector<1x1xf32>
    %eq3A = arith.constant 0 : i32
    %eq3A_52 = arith.cmpi eq, %arg0, %eq3A : i32
    %convert_element_type3A = arith.extui %eq3A_52 : i1 to i32
    %cond3A = arith.constant 0 : i32
    %cond3A_53 = arith.cmpi ne, %convert_element_type3A, %cond3A : i32
    scf.if %cond3A_53 {
      %swap3A_58 = arith.constant 0 : index
      %swap3A_59 = arith.constant 0 : index
      %swap3A_60 = vector.load %arg6[%swap3A_58, %swap3A_59] : memref<1x1xf32, #tpu.memory_space<vmem>>, vector<1x1xf32>
      tpu.vector_store %arg6[%swap3A_58, %swap3A_59], %broadcast_in_dim3A_51 {strides = array<i32>} : memref<1x1xf32, #tpu.memory_space<vmem>>, vector<1x1xf32>,
    } else {
    }
    %ne3A = arith.constant 0 : i32
    %ne3A_54 = arith.cmpi ne, %arg0, %ne3A : i32
    %convert_element_type3A_55 = arith.extui %ne3A_54 : i1 to i32
    %cond3A_56 = arith.constant 0 : i32
    %cond3A_57 = arith.cmpi ne, %convert_element_type3A_55, %cond3A_56 : i32
    scf.if %cond3A_57 {
      %get3A_58 = arith.constant 0 : index
      %get3A_59 = arith.constant 0 : index
      %get3A_60 = vector.load %arg6[%get3A_58, %get3A_59] : memref<1x1xf32, #tpu.memory_space<vmem>>, vector<1x1xf32>
      %add3A_61 = arith.addf %get3A_60, %broadcast_in_dim3A_51 : vector<1x1xf32>
      %swap3A_62 = arith.constant 0 : index
      %swap3A_63 = arith.constant 0 : index
      %swap3A_64 = vector.load %arg6[%swap3A_62, %swap3A_63] : memref<1x1xf32, #tpu.memory_space<vmem>>, vector<1x1xf32>
      tpu.vector_store %arg6[%swap3A_62, %swap3A_63], %add3A_61 {strides = array<i32>} : memref<1x1xf32, #tpu.memory_space<vmem>>, vector<1x1xf32>,
    } else {
    }
    return
  }
  func.func @transform_0(%arg0: i32) -> (i32, i32) {
    %c0_i32 = arith.constant 0 : i32
    %c0_i32_0 = arith.constant 0 : i32
    return %arg0, %c0_i32 : i32, i32
  }
  func.func @transform_1(%arg0: i32) -> (i32, i32) {
    %c0_i32 = arith.constant 0 : i32
    %c0_i32_0 = arith.constant 0 : i32
    %c0_i32_1 = arith.constant 0 : i32
    return %c0_i32, %c0_i32_0 : i32, i32
  }
  func.func @transform_2(%arg0: i32) -> (i32, i32) {
    %c0_i32 = arith.constant 0 : i32
    %c0_i32_0 = arith.constant 0 : i32
    %c0_i32_1 = arith.constant 0 : i32
    return %c0_i32, %c0_i32_0 : i32, i32
  }
  func.func @transform_3(%arg0: i32) -> (i32, i32) {
    %c0_i32 = arith.constant 0 : i32
    %c0_i32_0 = arith.constant 0 : i32
    %c0_i32_1 = arith.constant 0 : i32
    return %c0_i32, %c0_i32_0 : i32, i32
  }
  func.func @transform_4(%arg0: i32) -> (i32, i32) {
    %c0_i32 = arith.constant 0 : i32
    %c0_i32_0 = arith.constant 0 : i32
    return %arg0, %c0_i32 : i32, i32
  }
  func.func @transform_5(%arg0: i32) -> (i32, i32) {
    %c0_i32 = arith.constant 0 : i32
    %c0_i32_0 = arith.constant 0 : i32
    %c0_i32_1 = arith.constant 0 : i32
    return %c0_i32, %c0_i32_0 : i32, i32
  }
}

module attributes {stable_mosaic.version = 14 : i64} {
  func.func @_update_kernel(%arg0: i32, %arg1: memref<688x512xf32, #tpu.memory_space<vmem>>, %arg2: memref<688x512xf32, #tpu.memory_space<vmem>>, %arg3: memref<688x1xf32, #tpu.memory_space<vmem>>, %arg4: memref<688x1xf32, #tpu.memory_space<vmem>>, %arg5: memref<688x512xf32, #tpu.memory_space<vmem>>, %arg6: memref<688x1xf32, #tpu.memory_space<vmem>>, %arg7: memref<688x1xf32, #tpu.memory_space<vmem>>, %arg8: memref<688x512xf32, #tpu.memory_space<vmem>>, %arg9: memref<688x1xf32, #tpu.memory_space<vmem>>, %arg10: memref<688x1xf32, #tpu.memory_space<vmem>>, %arg11: memref<688x512xf32, #tpu.memory_space<vmem>>) attributes {dimension_semantics = [#tpu.dimension_semantics<arbitrary>], iteration_bounds = array<i64: 5>, scalar_prefetch = 0 : i64, scratch_operands = 0 : i64, tpu.core_type = #tpu.core_type<tc>, window_params = [{transform_indices = @transform_0, window_bounds = array<i64: 688, 512>}, {transform_indices = @transform_1, window_bounds = array<i64: 688, 512>}, {transform_indices = @transform_2, window_bounds = array<i64: 688, 1>}, {transform_indices = @transform_3, window_bounds = array<i64: 688, 1>}, {transform_indices = @transform_4, window_bounds = array<i64: 688, 512>}, {transform_indices = @transform_5, window_bounds = array<i64: 688, 1>}, {transform_indices = @transform_6, window_bounds = array<i64: 688, 1>}, {transform_indices = @transform_7, window_bounds = array<i64: 688, 512>}, {transform_indices = @transform_8, window_bounds = array<i64: 688, 1>}, {transform_indices = @transform_9, window_bounds = array<i64: 688, 1>}, {transform_indices = @transform_10, window_bounds = array<i64: 688, 512>}]} {
    %get3A = arith.constant 0 : index
    %get3A_0 = arith.constant 0 : index
    %get3A_1 = vector.load %arg1[%get3A, %get3A_0] : memref<688x512xf32, #tpu.memory_space<vmem>>, vector<688x512xf32>
    %get3A_2 = arith.constant 0 : index
    %get3A_3 = arith.constant 0 : index
    %get3A_4 = vector.load %arg2[%get3A_2, %get3A_3] : memref<688x512xf32, #tpu.memory_space<vmem>>, vector<688x512xf32>
    %get3A_5 = arith.constant 0 : index
    %get3A_6 = arith.constant 0 : index
    %get3A_7 = vector.load %arg4[%get3A_5, %get3A_6] : memref<688x1xf32, #tpu.memory_space<vmem>>, vector<688x1xf32>
    %neg3A = arith.constant 0.000000e+00 : f32
    %neg3A_8 = vector.broadcast %neg3A : f32 to vector<688x1xf32>
    %neg3A_9 = arith.subf %neg3A_8, %get3A_7 : vector<688x1xf32>
    %exp3A = math.exp %neg3A_9 : vector<688x1xf32>
    %mul3A = vector.broadcast %exp3A : vector<688x1xf32> to vector<688x512xf32>
    %mul3A_10 = arith.mulf %get3A_4, %mul3A : vector<688x512xf32>
    %get3A_11 = arith.constant 0 : index
    %get3A_12 = arith.constant 0 : index
    %get3A_13 = vector.load %arg3[%get3A_11, %get3A_12] : memref<688x1xf32, #tpu.memory_space<vmem>>, vector<688x1xf32>
    %gt3A = arith.constant 0.000000e+00 : f32
    %gt3A_14 = vector.broadcast %gt3A : f32 to vector<688x1xf32>
    %gt3A_15 = arith.cmpf ogt, %get3A_13, %gt3A_14 : vector<688x1xf32>
    %mul3A_16 = arith.constant 8.000000e-01 : f32
    %mul3A_17 = vector.broadcast %mul3A_16 : f32 to vector<688x512xf32>
    %mul3A_18 = arith.mulf %mul3A_17, %get3A_1 : vector<688x512xf32>
    %mul3A_19 = arith.constant 2.000000e-01 : f32
    %mul3A_20 = vector.broadcast %mul3A_19 : f32 to vector<688x512xf32>
    %mul3A_21 = arith.mulf %mul3A_20, %mul3A_10 : vector<688x512xf32>
    %add3A = arith.addf %mul3A_18, %mul3A_21 : vector<688x512xf32>
    %broadcast_in_dim3A = vector.shape_cast %gt3A_15 : vector<688x1xi1> to vector<688x1xi1>
    %broadcast_in_dim3A_22 = vector.broadcast %broadcast_in_dim3A : vector<688x1xi1> to vector<688x512xi1>
    %select_n3A = arith.select %broadcast_in_dim3A_22, %add3A, %get3A_1 : vector<688x512xi1>, vector<688x512xf32>
    %mul3A_23 = arith.mulf %select_n3A, %select_n3A : vector<688x512xf32>
    %reduce_sum3A = arith.constant dense<0.000000e+00> : vector<688xf32>
    %reduce_sum3A_24 = vector.multi_reduction <add>, %mul3A_23, %reduce_sum3A [1] : vector<688x512xf32> to vector<688xf32>
    %broadcast_in_dim3A_25 = vector.shape_cast %reduce_sum3A_24 : vector<688xf32> to vector<688x1xf32>
    %sqrt3A = math.sqrt %broadcast_in_dim3A_25 : vector<688x1xf32>
    %jit3A = arith.constant 9.99999996E-13 : f32
    %max3A = vector.broadcast %jit3A : f32 to vector<688x1xf32>
    %max3A_26 = arith.maximumf %max3A, %sqrt3A : vector<688x1xf32>
    %div3A = vector.broadcast %max3A_26 : vector<688x1xf32> to vector<688x512xf32>
    %div3A_27 = arith.divf %select_n3A, %div3A : vector<688x512xf32>
    %get3A_28 = arith.constant 0 : index
    %get3A_29 = arith.constant 0 : index
    %get3A_30 = vector.load %arg5[%get3A_28, %get3A_29] : memref<688x512xf32, #tpu.memory_space<vmem>>, vector<688x512xf32>
    %get3A_31 = arith.constant 0 : index
    %get3A_32 = arith.constant 0 : index
    %get3A_33 = vector.load %arg7[%get3A_31, %get3A_32] : memref<688x1xf32, #tpu.memory_space<vmem>>, vector<688x1xf32>
    %neg3A_34 = arith.constant 0.000000e+00 : f32
    %neg3A_35 = vector.broadcast %neg3A_34 : f32 to vector<688x1xf32>
    %neg3A_36 = arith.subf %neg3A_35, %get3A_33 : vector<688x1xf32>
    %exp3A_37 = math.exp %neg3A_36 : vector<688x1xf32>
    %mul3A_38 = vector.broadcast %exp3A_37 : vector<688x1xf32> to vector<688x512xf32>
    %mul3A_39 = arith.mulf %get3A_30, %mul3A_38 : vector<688x512xf32>
    %get3A_40 = arith.constant 0 : index
    %get3A_41 = arith.constant 0 : index
    %get3A_42 = vector.load %arg6[%get3A_40, %get3A_41] : memref<688x1xf32, #tpu.memory_space<vmem>>, vector<688x1xf32>
    %gt3A_43 = arith.constant 0.000000e+00 : f32
    %gt3A_44 = vector.broadcast %gt3A_43 : f32 to vector<688x1xf32>
    %gt3A_45 = arith.cmpf ogt, %get3A_42, %gt3A_44 : vector<688x1xf32>
    %mul3A_46 = arith.constant 8.000000e-01 : f32
    %mul3A_47 = vector.broadcast %mul3A_46 : f32 to vector<688x512xf32>
    %mul3A_48 = arith.mulf %mul3A_47, %get3A_1 : vector<688x512xf32>
    %mul3A_49 = arith.constant 2.000000e-01 : f32
    %mul3A_50 = vector.broadcast %mul3A_49 : f32 to vector<688x512xf32>
    %mul3A_51 = arith.mulf %mul3A_50, %mul3A_39 : vector<688x512xf32>
    %add3A_52 = arith.addf %mul3A_48, %mul3A_51 : vector<688x512xf32>
    %broadcast_in_dim3A_53 = vector.shape_cast %gt3A_45 : vector<688x1xi1> to vector<688x1xi1>
    %broadcast_in_dim3A_54 = vector.broadcast %broadcast_in_dim3A_53 : vector<688x1xi1> to vector<688x512xi1>
    %select_n3A_55 = arith.select %broadcast_in_dim3A_54, %add3A_52, %get3A_1 : vector<688x512xi1>, vector<688x512xf32>
    %mul3A_56 = arith.mulf %select_n3A_55, %select_n3A_55 : vector<688x512xf32>
    %reduce_sum3A_57 = arith.constant dense<0.000000e+00> : vector<688xf32>
    %reduce_sum3A_58 = vector.multi_reduction <add>, %mul3A_56, %reduce_sum3A_57 [1] : vector<688x512xf32> to vector<688xf32>
    %broadcast_in_dim3A_59 = vector.shape_cast %reduce_sum3A_58 : vector<688xf32> to vector<688x1xf32>
    %sqrt3A_60 = math.sqrt %broadcast_in_dim3A_59 : vector<688x1xf32>
    %jit3A_61 = arith.constant 9.99999996E-13 : f32
    %max3A_62 = vector.broadcast %jit3A_61 : f32 to vector<688x1xf32>
    %max3A_63 = arith.maximumf %max3A_62, %sqrt3A_60 : vector<688x1xf32>
    %div3A_64 = vector.broadcast %max3A_63 : vector<688x1xf32> to vector<688x512xf32>
    %div3A_65 = arith.divf %select_n3A_55, %div3A_64 : vector<688x512xf32>
    %add3A_66 = arith.addf %div3A_27, %div3A_65 : vector<688x512xf32>
    %get3A_67 = arith.constant 0 : index
    %get3A_68 = arith.constant 0 : index
    %get3A_69 = vector.load %arg8[%get3A_67, %get3A_68] : memref<688x512xf32, #tpu.memory_space<vmem>>, vector<688x512xf32>
    %get3A_70 = arith.constant 0 : index
    %get3A_71 = arith.constant 0 : index
    %get3A_72 = vector.load %arg10[%get3A_70, %get3A_71] : memref<688x1xf32, #tpu.memory_space<vmem>>, vector<688x1xf32>
    %neg3A_73 = arith.constant 0.000000e+00 : f32
    %neg3A_74 = vector.broadcast %neg3A_73 : f32 to vector<688x1xf32>
    %neg3A_75 = arith.subf %neg3A_74, %get3A_72 : vector<688x1xf32>
    %exp3A_76 = math.exp %neg3A_75 : vector<688x1xf32>
    %mul3A_77 = vector.broadcast %exp3A_76 : vector<688x1xf32> to vector<688x512xf32>
    %mul3A_78 = arith.mulf %get3A_69, %mul3A_77 : vector<688x512xf32>
    %get3A_79 = arith.constant 0 : index
    %get3A_80 = arith.constant 0 : index
    %get3A_81 = vector.load %arg9[%get3A_79, %get3A_80] : memref<688x1xf32, #tpu.memory_space<vmem>>, vector<688x1xf32>
    %gt3A_82 = arith.constant 0.000000e+00 : f32
    %gt3A_83 = vector.broadcast %gt3A_82 : f32 to vector<688x1xf32>
    %gt3A_84 = arith.cmpf ogt, %get3A_81, %gt3A_83 : vector<688x1xf32>
    %mul3A_85 = arith.constant 8.000000e-01 : f32
    %mul3A_86 = vector.broadcast %mul3A_85 : f32 to vector<688x512xf32>
    %mul3A_87 = arith.mulf %mul3A_86, %get3A_1 : vector<688x512xf32>
    %mul3A_88 = arith.constant 2.000000e-01 : f32
    %mul3A_89 = vector.broadcast %mul3A_88 : f32 to vector<688x512xf32>
    %mul3A_90 = arith.mulf %mul3A_89, %mul3A_78 : vector<688x512xf32>
    %add3A_91 = arith.addf %mul3A_87, %mul3A_90 : vector<688x512xf32>
    %broadcast_in_dim3A_92 = vector.shape_cast %gt3A_84 : vector<688x1xi1> to vector<688x1xi1>
    %broadcast_in_dim3A_93 = vector.broadcast %broadcast_in_dim3A_92 : vector<688x1xi1> to vector<688x512xi1>
    %select_n3A_94 = arith.select %broadcast_in_dim3A_93, %add3A_91, %get3A_1 : vector<688x512xi1>, vector<688x512xf32>
    %mul3A_95 = arith.mulf %select_n3A_94, %select_n3A_94 : vector<688x512xf32>
    %reduce_sum3A_96 = arith.constant dense<0.000000e+00> : vector<688xf32>
    %reduce_sum3A_97 = vector.multi_reduction <add>, %mul3A_95, %reduce_sum3A_96 [1] : vector<688x512xf32> to vector<688xf32>
    %broadcast_in_dim3A_98 = vector.shape_cast %reduce_sum3A_97 : vector<688xf32> to vector<688x1xf32>
    %sqrt3A_99 = math.sqrt %broadcast_in_dim3A_98 : vector<688x1xf32>
    %jit3A_100 = arith.constant 9.99999996E-13 : f32
    %max3A_101 = vector.broadcast %jit3A_100 : f32 to vector<688x1xf32>
    %max3A_102 = arith.maximumf %max3A_101, %sqrt3A_99 : vector<688x1xf32>
    %div3A_103 = vector.broadcast %max3A_102 : vector<688x1xf32> to vector<688x512xf32>
    %div3A_104 = arith.divf %select_n3A_94, %div3A_103 : vector<688x512xf32>
    %add3A_105 = arith.addf %add3A_66, %div3A_104 : vector<688x512xf32>
    %div3A_106 = arith.constant 3.000000e+00 : f32
    %div3A_107 = vector.broadcast %div3A_106 : f32 to vector<688x512xf32>
    %div3A_108 = arith.divf %add3A_105, %div3A_107 : vector<688x512xf32>
    %swap3A = arith.constant 0 : index
    %swap3A_109 = arith.constant 0 : index
    %swap3A_110 = vector.load %arg11[%swap3A, %swap3A_109] : memref<688x512xf32, #tpu.memory_space<vmem>>, vector<688x512xf32>
    tpu.vector_store %arg11[%swap3A, %swap3A_109], %div3A_108 {strides = array<i32>} : memref<688x512xf32, #tpu.memory_space<vmem>>, vector<688x512xf32>,
    return
  }
  func.func @transform_0(%arg0: i32) -> (i32, i32) {
    %c0_i32 = arith.constant 0 : i32
    %c0_i32_0 = arith.constant 0 : i32
    return %arg0, %c0_i32 : i32, i32
  }
  func.func @transform_1(%arg0: i32) -> (i32, i32) {
    %c0_i32 = arith.constant 0 : i32
    %c0_i32_0 = arith.constant 0 : i32
    return %arg0, %c0_i32 : i32, i32
  }
  func.func @transform_2(%arg0: i32) -> (i32, i32) {
    %c0_i32 = arith.constant 0 : i32
    %c0_i32_0 = arith.constant 0 : i32
    return %arg0, %c0_i32 : i32, i32
  }
  func.func @transform_3(%arg0: i32) -> (i32, i32) {
    %c0_i32 = arith.constant 0 : i32
    %c0_i32_0 = arith.constant 0 : i32
    return %arg0, %c0_i32 : i32, i32
  }
  func.func @transform_4(%arg0: i32) -> (i32, i32) {
    %c0_i32 = arith.constant 0 : i32
    %c0_i32_0 = arith.constant 0 : i32
    return %arg0, %c0_i32 : i32, i32
  }
  func.func @transform_5(%arg0: i32) -> (i32, i32) {
    %c0_i32 = arith.constant 0 : i32
    %c0_i32_0 = arith.constant 0 : i32
    return %arg0, %c0_i32 : i32, i32
  }
  func.func @transform_6(%arg0: i32) -> (i32, i32) {
    %c0_i32 = arith.constant 0 : i32
    %c0_i32_0 = arith.constant 0 : i32
    return %arg0, %c0_i32 : i32, i32
  }
  func.func @transform_7(%arg0: i32) -> (i32, i32) {
    %c0_i32 = arith.constant 0 : i32
    %c0_i32_0 = arith.constant 0 : i32
    return %arg0, %c0_i32 : i32, i32
  }
  func.func @transform_8(%arg0: i32) -> (i32, i32) {
    %c0_i32 = arith.constant 0 : i32
    %c0_i32_0 = arith.constant 0 : i32
    return %arg0, %c0_i32 : i32, i32
  }
  func.func @transform_9(%arg0: i32) -> (i32, i32) {
    %c0_i32 = arith.constant 0 : i32
    %c0_i32_0 = arith.constant 0 : i32
    return %arg0, %c0_i32 : i32, i32
  }
  func.func @transform_10(%arg0: i32) -> (i32, i32) {
    %c0_i32 = arith.constant 0 : i32
    %c0_i32_0 = arith.constant 0 : i32
    return %arg0, %c0_i32 : i32, i32
  }
}

</mosaic_0001>

<sc_bundles>
// kernel: kernel.6.cloned.1.call-start
scs
__scs_entry_jumppad:
0x0: {  	(pc) =	sbr.rel $0x88, $3  }
0x1: {  	(tag) =	ssettag $0x0;
	lr =	simm.s32 $0x1  }
0x2: {  	[smem:$0x3F9B] =	sst lr;
	_ =	strace $0xD0000000  }
0x3: {  	_ = 	snop  }
0x4: {  	_ = 	snop  }
0x5: {  	_ = 	snop  }
0x6: {  	_ = 	snop  }
0x7: {  	_ = 	snop  }
__scs_overlays_trampoline_lowered:
0x8: {  	[smem:$0x3FAA] =	sst s0  }
0x9: {  	[smem:$0x3FAB] =	sst s1  }
0xa: {  	[smem:$0x3FAC] =	sst s2  }
0xb: {  	[smem:$0x3FAD] =	sst s3  }
0xc: {  	[smem:$0x3FAE] =	sst s4  }
0xd: {  	[smem:$0x3FAF] =	sst s5  }
0xe: {  	[smem:$0x3FB0] =	sst s6  }
0xf: {  	[smem:$0x3FB1] =	sst s7  }
0x10: {  	[smem:$0x3FB2] =	sst s8  }
0x11: {  	[smem:$0x3FB3] =	sst s9;
	s0 =	simm.s32 @!p0 $0x0  }
0x12: {  	s1 =	sld [smem:$0x3F99];
	s0 =	simm.s32 @p0 $0x1  }
0x13: {  	[smem:$0x3FB4] =	sst s0;
	s0 =	simm.s32 @!p1 $0x0  }
0x14: {  	s2 =	sld [smem:$0x3F98];
	s0 =	simm.s32 @p1 $0x1  }
0x15: {  	[smem:$0x3FB5] =	sst s0;
	s0 =	simm.s32 @!p2 $0x0  }
0x16: {  	s3 =	sld [smem:$0x3FDB];
	s0 =	simm.s32 @p2 $0x1  }
0x17: {  	s4 =	simm.s32 $0x1BF5;
	[smem:$0x3FB7] =	sst s0  }
0x18: {  	s0 =	sld [smem:$0x3F9A];
	_ =	swait.ge [sflag:s4], $0x0  }
0x19: {  	s7 =	sld [smem:$0x3F9B]  }
0x1a: {  	s8 =	sadd.s32 $0xFFFFE003, lr  }
0x1b: {  	s9 =	sadd.s32 $0xFFFFFEF7, lr;
	s5 =	simm.s32 $0xFFFFFFFF;
	p2 =	slt.u32 s8, $0xFFFFF086  }
0x1c: {  	p1 =	slt.u32 s9, $0xF7A;
	s5 =	simm.s32 @!p2 $0x0  }
0x1d: {  	s5 =	simm.s32 @p1 $0x1;
	p0 =	seq.s32 s7, s2  }
0x1e: {  	s7 =	smul.u32 @!p0 $0xF7A, s2;
	p2 =	seq.s32 @!p0 s5, $0x0  }
0x1f: {  	s9 =	smul.u32 $0xF7A, s1;
	s8 =	simm.s32 @!p0 $0x1BF5;
	p2 =	por !p2, p0  }
0x20: {  	[sflag:s8] =	ssyncset.s32 @!p0 $0xFFFFF086;
	s6 =	sadd.s32 @!p0 s3, s7;
	s7 =	simm.s32 @!p0 $0x108  }
0x21: {  	s3 =	sadd.s32 s3, s9;
	s6 =	sadd.s32 @!p0 $0x88, s6;
	s7 =	simm.s32 @p2 $0x1082  }
0x22: {  	[simem:s7], [sflag:s8] =	dma.local @!p0 [hbm:s6], $0xF7A  }
0x23: {  	s9 =	sor.u32 $0xD0000000, s2;
	s6 =	simm.s32 $0x108;
	_ =	swait.ge @!p0 [sflag:s8], $0x0  }
0x24: {  	s3 =	sadd.s32 $0x88, s3;
	s6 =	simm.s32 @!p1 $0x1082;
	[sflag:s4] =	ssyncset.s32 $0xFFFFF086  }
0x25: {  	[simem:s6], [sflag:s4] =	dma.local [hbm:s3], $0xF7A  }
0x26: {  	[smem:$0x3F9B] =	sst s1;
	(tag) =	ssettag s2;
	_ =	strace s9  }
0x27: {  	s1 =	sld [smem:$0x3FAB]  }
0x28: {  	s2 =	sld [smem:$0x3FAC]  }
0x29: {  	s4 =	sld [smem:$0x3FAE]  }
0x2a: {  	p0 =	seq.s32 s5, $0x0;
	s5 =	sld [smem:$0x3FAF]  }
0x2b: {  	s6 =	sld [smem:$0x3FB0]  }
0x2c: {  	s7 =	sld [smem:$0x3FB1]  }
0x2d: {  	s3 =	simm.s32 $0x108;
	s8 =	sld [smem:$0x3FB2]  }
0x2e: {  	s3 =	simm.s32 @!p0 $0x1082;
	s9 =	sld [smem:$0x3FB3]  }
0x2f: {  	lr =	sadd.s32 s0, s3;
	s0 =	sld [smem:$0x3FAA]  }
0x30: {  	s3 =	sld [smem:$0x3FAD]  }
0x31: {  	[smem:$0x3FB6] =	sst s10  }
0x32: {  	s10 =	sld [smem:$0x3FB4];
	_ =	sdelay $0x3  }
0x33: {  	p0 =	seq.s32 s10, $0x1;
	s10 =	sld [smem:$0x3FB6];
	_ =	sdelay $0x3  }
0x34: {  	[smem:$0x3FB6] =	sst s10  }
0x35: {  	s10 =	sld [smem:$0x3FB5];
	_ =	sdelay $0x3  }
0x36: {  	p1 =	seq.s32 s10, $0x1;
	s10 =	sld [smem:$0x3FB6];
	_ =	sdelay $0x3  }
0x37: {  	[smem:$0x3FB6] =	sst s10  }
0x38: {  	s10 =	sld [smem:$0x3FB7]  }
0x39: {  	_ = 	snop;
	(pc) =	sbr.ind lr, $3  }
0x3a: {  	_ = 	snop  }
0x3b: {  	_ = 	snop  }
0x3c: {  	p2 =	seq.s32 s10, $0x1;
	s10 =	sld [smem:$0x3FB6]  }
0x3d: {  	_ =	shalt  }
0x3e: {  	_ =	shalt  }
0x3f: {  	_ =	shalt  }
0x40: {  	_ =	shalt  }
0x41: {  	_ =	shalt  }
0x42: {  	_ =	shalt  }
0x43: {  	_ =	shalt  }
0x44: {  	_ =	shalt  }
0x45: {  	_ =	shalt  }
0x46: {  	_ =	shalt  }
0x47: {  	_ =	shalt  }
0x48: {  	_ =	shalt  }
0x49: {  	_ =	shalt  }
0x4a: {  	_ =	shalt  }
0x4b: {  	_ =	shalt  }
0x4c: {  	_ =	shalt  }
0x4d: {  	_ =	shalt  }
0x4e: {  	_ =	shalt  }
0x4f: {  	_ =	shalt  }
0x50: {  	_ =	shalt  }
0x51: {  	_ =	shalt  }
0x52: {  	_ =	shalt  }
0x53: {  	_ =	shalt  }
0x54: {  	_ =	shalt  }
0x55: {  	_ =	shalt  }
0x56: {  	_ =	shalt  }
0x57: {  	_ =	shalt  }
0x58: {  	_ =	shalt  }
0x59: {  	_ =	shalt  }
0x5a: {  	_ =	shalt  }
0x5b: {  	_ =	shalt  }
0x5c: {  	_ =	shalt  }
0x5d: {  	_ =	shalt  }
0x5e: {  	_ =	shalt  }
0x5f: {  	_ =	shalt  }
0x60: {  	_ =	shalt  }
0x61: {  	_ =	shalt  }
0x62: {  	_ =	shalt  }
0x63: {  	_ =	shalt  }
0x64: {  	_ =	shalt  }
0x65: {  	_ =	shalt  }
0x66: {  	_ =	shalt  }
0x67: {  	_ =	shalt  }
0x68: {  	_ =	shalt  }
0x69: {  	_ =	shalt  }
0x6a: {  	_ =	shalt  }
0x6b: {  	_ =	shalt  }
0x6c: {  	_ =	shalt  }
0x6d: {  	_ =	shalt  }
0x6e: {  	_ =	shalt  }
0x6f: {  	_ =	shalt  }
0x70: {  	_ =	shalt  }
0x71: {  	_ =	shalt  }
0x72: {  	_ =	shalt  }
0x73: {  	_ =	shalt  }
0x74: {  	_ =	shalt  }
0x75: {  	_ =	shalt  }
0x76: {  	_ =	shalt  }
0x77: {  	_ =	shalt  }
0x78: {  	_ =	shalt  }
0x79: {  	_ =	shalt  }
0x7a: {  	_ =	shalt  }
0x7b: {  	_ =	shalt  }
0x7c: {  	_ =	shalt  }
0x7d: {  	_ =	shalt  }
0x7e: {  	_ =	shalt  }
0x7f: {  	_ =	shalt  }
0x80: {  	_ =	shalt  }
0x81: {  	_ =	shalt  }
0x82: {  	_ =	shalt  }
0x83: {  	_ =	shalt  }
0x84: {  	_ =	shalt  }
0x85: {  	_ =	shalt  }
0x86: {  	_ =	shalt  }
0x87: {  	_ =	shalt  }
.Lfunc_end0:
.L_simem_size_0:
called_computation_lowered:
.L_overlay_start_0:
0x88: {  	s2 =	sld [smem:$0x3FD9]  }
0x89: {  	s3 =	sld [smem:$0x3FFE];
	_ =	sdelay $0x1  }
0x8a: {  	s1 =	srdreg.scid  }
0x8b: {  	s0 =	sand.u32 $0x1, s1  }
0x8c: {  	s14 =	sshll.u32 s0, $0xA;
	s2 =	sadd.s32 s3, s2  }
0x8d: {  	s2 =	sadd.s32 s2, s14  }
0x8e: {  	[smem:$0x3FC2] =	sst s2  }
0x8f: {  	_ = 	snop  }
0x90: {  	s2 =	sld [smem:$0x3FD0];
	_ =	sdelay $0x2  }
0x91: {  	s15 =	simm.s32 $0xA;
	s4 =	simm.s32 $0x10  }
0x92: {  	[smem:s4], [sflag:s15] =	dma.local [hbm:s2], $0x1  }
0x93: {  	_ =	swait.eq [sflag:s15], $0x1  }
0x94: {  	[sflag:s15] =	ssyncset.done $0x0  }
0x95: {  	[sflag:s15] =	ssyncadd.s32 $0xFFFFFFFF  }
0x96: {  	s16 =	sld [smem:$0x12];
	(tm) =	ssettm $0x1  }
0x97: {  	s17 =	sld [smem:$0x3FFB];
	_ =	sdelay $0x3  }
0x98: {  	_ =	strace s17  }
0x99: {  	s3 =	sld [smem:$0x3FFC];
	_ =	sdelay $0x3  }
0x9a: {  	_ =	strace s3  }
0x9b: {  	s3 =	sld [smem:$0x3FFD];
	_ =	sdelay $0x3  }
0x9c: {  	_ =	strace s3  }
0x9d: {  	_ =	strace $0x8FFFFFFF  }
0x9e: {  	s18 =	sld [smem:$0x3FDB];
	_ =	sdelay $0x1  }
0x9f: {  	s19 =	simm.s32 $_scs_section_size  }
0xa0: {  	s5 =	simm.s32 $_size__tile_overlayer_lowered;
	s6 =	simm.s32 $_tile_overlayer_lowered  }
0xa1: {  	s22 =	simm.s32 $0x1BFF;
	s21 =	sshll.u32 s6, $0x1;
	s3 =	sadd.s32 s19, s18  }
0xa2: {  	s7 =	simm.s32 $0x0;
	s20 =	sshll.u32 s5, $0x1;
	s5 =	sadd.s32 s21, s3  }
0xa3: {  	[timem:s7], [sflag:s22] =	dma.local [hbm:s5], s20  }
0xa4: {  	_ =	swait.ge [sflag:s22], s20  }
0xa5: {  	s4 =	ssub.s32 $0x0, s20;
	[sflag:s22] =	ssyncset.done $0x0  }
0xa6: {  	[sflag:s22] =	ssyncadd.s32 s4;
	_ =	sdelay $0x1  }
0xa7: {  	s23 =	simm.s32 $0x1B8B  }
0xa8: {  	_ =	swait.ge [sflag:s23], $0x1  }
0xa9: {  	[sflag:s23] =	ssyncset.done $0x0  }
0xaa: {  	s25 =	simm.s32 $0x1B8E;
	s24 =	sld [smem:$0x3FFE];
	[sflag:s23] =	ssyncadd.s32 $0xFFFFFFFF  }
0xab: {  	s26 =	simm.s32 $execute0_lowered;
	[smem:$0x3FD2] =	sst s25  }
0xac: {  	s5 =	sshll.u32 s26, $0x1;
	_ =	strace $0x80000046;
	[dreg:$0x1] =	wrdreg $0xFFFFFFFF  }
0xad: {  	s28 =	simm.s32 $_size_execute0_lowered;
	s3 =	sadd.s32 s3, s5;
	[dreg:$0x0] =	wrdreg $0x0  }
0xae: {  	s5 =	sshll.u32 s28, $0x1;
	[dreg:$0x2] =	wrdreg s3  }
0xaf: {  	[dreg:$0x3] =	wrdreg s5  }
0xb0: {  	[dreg:$0x4] =	wrdreg $0xC0  }
0xb1: {  	_ =	task [dreg:s7], $0x5FFFF  }
0xb2: {  	[dreg:$0x1] =	wrdreg $0xFFFFFFFF  }
0xb3: {  	[dreg:$0x0] =	wrdreg $0x60  }
0xb4: {  	[dreg:$0x2] =	wrdreg s24  }
0xb5: {  	[dreg:$0x3] =	wrdreg s16  }
0xb6: {  	[dreg:$0x4] =	wrdreg $0x9  }
0xb7: {  	_ =	task.clear_ibuf [dreg:s7], $0x5FFFF;
	_ =	strace $0x90000046  }
0xb8: {  	s29 =	simm.s32 $0x9;
	_ =	strace $0x80000048  }
0xb9: {  	_ =	swait.ge [sflag:s29], $0x1  }
0xba: {  	[sflag:s29] =	ssyncadd.s32 $0xFFFFFFFF  }
0xbb: {  	_ =	strace $0x90000048  }
0xbc: {  	_ =	sfence  }
0xbd: {  	s30 =	sld [smem:$0x0];
	_ =	sdelay $0x2  }
0xbe: {  	s31 =	sshll.u32 s1, $0xD;
	s1 =	sshrl.u32 s1, $0x2  }
0xbf: {  	s3 =	sand.u32 $0x4000, s31;
	s1 =	sadd.s32 s1, s30  }
0xc0: {  	s0 =	sor.u32 s3, s0;
	s1 =	sshll.u32 s1, $0x11  }
0xc1: {  	s0 =	sor.u32 s1, s0  }
0xc2: {  	s0 =	sadd.s32 $0x8F2B, s0  }
0xc3: {  	[sflag:s0] =	ssyncadd.remote.s32 $0x1  }
0xc4: {  	_ =	sfence.sel $0xFFFF  }
0xc5: {  	[dreg:$0x0] =	wrdreg $0xFFFFFFFF;
	(pc) =	sbr.abs _section_cstart, $3  }
0xc6: {  	[dreg:$0x1] =	wrdreg $0xFFFFFFFF  }
0xc7: {  	_ =	task.clear_ibuf [dreg:s7], $0x2FFFF;
	_ =	strace $0x9FFFFFFF  }
0xc8: {  	(tm) =	ssettm $0x7FFFFFFF  }
0xc9: {  	_ =	shalt  }
tec
execute0_lowered:
.L_overlay_start_1:
0x0: {  	(tag) =	ssettag $0x1  }
0x1: {  	s1 =	srdreg.scid  }
0x2: {  	s5 =	rddreg [dreg:$0x0];
	s0 =	stileid.u32  }
0x3: {  	s6 =	rddreg [dreg:$0x1];
	s2 =	simm.s32 $0x0;
	s13 =	simm.s32 $0x1000  }
0x4: {  	s14 =	simm.s32 $0x1;
	s15 =	simm.s32 $0x10;
	s16 =	simm.s32 $0x200  }
0x5: {  	s17 =	simm.s32 $0x3000;
	s3 =	sand.u32 $0x1, s1;
	s1 =	rddreg [dreg:$0x2]  }
0x6: {  	s18 =	simm.s32 $0x0;
	s4 =	sshll.u32 s0, $0x5;
	[smem:$0x7FF] =	sst s2  }
0x7: {  	s7 =	sshll.u32 s3, $0x4;
	_ =	strace $0x80000047;
	s8 =	ssub.s32 $0x2, s3  }
0x8: {  	s3 =	sadd.s32 $0x180E00, s5;
	s4 =	sor.u32 s7, s4;
	s9 =	sshrl.u32 s8, $0x1  }
0x9: {  	s7 =	sshrl.u32 s4, $0x3;
	s4 =	sadd.s32 $0x180A00, s5;
	s9 =	ssub.s32 s8, s9  }
0xa: {  	s12 =	sadd.s32 s7, s5;
	s5 =	sadd.s32 $0x180600, s5;
	s6 =	sadd.s32 s6, s7  }
0xb: {  	s9 =	smax.u32 s9, $0x1;
	s7 =	sadd.s32 $0x1B6E00, s12;
	s8 =	sadd.s32 $0x181200, s12  }
0xc: {  	s10 =	sadd.s32 $0x80600, s12;
	s11 =	sadd.s32 $0x600, s12;
	s12 =	sadd.s32 $0x100600, s12  }
.LBB2_1:
0xd: {  	[tilespmem:s13], [sflag:$0x1] =	stream.linear.gather [hbm4b:s3+s2], $0x2000, $0x38;
	[tilespmem:$0x10700] =	vst v63  }
0xe: {  	_ =	swait.ge [sflag:s14], $0x2000  }
0xf: {  	[sflag:s14] =	ssyncset.done $0x0  }
0x10: {  	s19 =	sadd.s32 $0x0, s10;
	[sflag:s14] =	ssyncadd.s32 $0xFFFFE000  }
0x11: {  	[tilespmem:s2], [sflag:$0x1] =	stream.strided.gather [hbm4b:s19+s15], $0x1000, s16, s15, $0x38;
	[tilespmem:$0x10700] =	vst v63  }
0x12: {  	_ =	swait.ge [sflag:s14], $0x1000  }
0x13: {  	s19 =	simm.s32 $0x4000;
	[sflag:s14] =	ssyncset.done $0x0  }
.LBB2_2:
0x14: {  	s20 =	sadd.s32 s19, s10;
	[sflag:s14] =	ssyncadd.s32 $0xFFFFF000;
	p0 =	sne.s32 s19, $0x7C000  }
0x15: {  	[tilespmem:s2], [sflag:$0x1] =	stream.strided.gather [hbm4b:s20+s15], $0x1000, s16, s15, $0x38;
	[tilespmem:$0x10700] =	vst v63  }
.Ltmp0:
0x16: {  	_ = 	snop;
	(pc) =	sbr.rel @p0 .LBB2_2-.Ltmp0, $4  }
0x17: {  	_ = 	snop  }
0x18: {  	s19 =	sadd.s32 $0x4000, s19  }
0x19: {  	_ =	swait.ge [sflag:s14], $0x1000  }
0x1a: {  	[sflag:s14] =	ssyncset.done $0x0  }
0x1b: {  	[sflag:s14] =	ssyncadd.s32 $0xFFFFF000  }
0x1c: {  	[hbm4b:s6+s15] =	stream.strided.scatter [tilespmem:s17], [sflag:$0x1], $0xD700, s16, s15, $0x38;
	[tilespmem:$0x10700] =	vst v63  }
0x1d: {  	_ =	swait.ge [sflag:s14], $0xD700  }
0x1e: {  	[sflag:s14] =	ssyncset.done $0x0  }
0x1f: {  	s19 =	simm.s32 $0x0;
	[sflag:s14] =	ssyncadd.s32 $0xFFFF2900  }
0x20: {  	[tilespmem:s13], [sflag:$0x1] =	stream.linear.gather [hbm4b:s4+s19], $0x2000, $0x38;
	[tilespmem:$0x10700] =	vst v63  }
0x21: {  	_ =	swait.ge [sflag:s14], $0x2000  }
0x22: {  	[sflag:s14] =	ssyncset.done $0x0  }
0x23: {  	s31 =	sadd.s32 $0x0, s11;
	[sflag:s14] =	ssyncadd.s32 $0xFFFFE000  }
0x24: {  	[tilespmem:s2], [sflag:$0x1] =	stream.strided.gather [hbm4b:s31+s15], $0x1000, s16, s15, $0x38;
	[tilespmem:$0x10700] =	vst v63  }
0x25: {  	_ =	swait.ge [sflag:s14], $0x1000  }
0x26: {  	s19 =	simm.s32 $0x4000;
	[sflag:s14] =	ssyncset.done $0x0  }
.LBB2_4:
0x27: {  	s20 =	sadd.s32 s19, s11;
	[sflag:s14] =	ssyncadd.s32 $0xFFFFF000;
	p0 =	sne.s32 s19, $0x7C000  }
0x28: {  	[tilespmem:s2], [sflag:$0x1] =	stream.strided.gather [hbm4b:s20+s15], $0x1000, s16, s15, $0x38;
	[tilespmem:$0x10700] =	vst v63  }
.Ltmp1:
0x29: {  	_ = 	snop;
	(pc) =	sbr.rel @p0 .LBB2_4-.Ltmp1, $4  }
0x2a: {  	_ = 	snop  }
0x2b: {  	s19 =	sadd.s32 $0x4000, s19  }
0x2c: {  	_ =	swait.ge [sflag:s14], $0x1000  }
0x2d: {  	[sflag:s14] =	ssyncset.done $0x0  }
0x2e: {  	[sflag:s14] =	ssyncadd.s32 $0xFFFFF000  }
0x2f: {  	[hbm4b:s7+s15] =	stream.strided.scatter [tilespmem:s17], [sflag:$0x1], $0xD700, s16, s15, $0x38;
	[tilespmem:$0x10700] =	vst v63  }
0x30: {  	_ =	swait.ge [sflag:s14], $0xD700  }
0x31: {  	[sflag:s14] =	ssyncset.done $0x0  }
0x32: {  	s19 =	simm.s32 $0x0;
	[sflag:s14] =	ssyncadd.s32 $0xFFFF2900  }
0x33: {  	[tilespmem:s13], [sflag:$0x1] =	stream.linear.gather [hbm4b:s5+s19], $0x2000, $0x38;
	[tilespmem:$0x10700] =	vst v63  }
0x34: {  	_ =	swait.ge [sflag:s14], $0x2000  }
0x35: {  	[sflag:s14] =	ssyncset.done $0x0  }
0x36: {  	s31 =	sadd.s32 $0x0, s12;
	[sflag:s14] =	ssyncadd.s32 $0xFFFFE000  }
0x37: {  	[tilespmem:s2], [sflag:$0x1] =	stream.strided.gather [hbm4b:s31+s15], $0x1000, s16, s15, $0x38;
	[tilespmem:$0x10700] =	vst v63  }
0x38: {  	_ =	swait.ge [sflag:s14], $0x1000  }
0x39: {  	s19 =	simm.s32 $0x4000;
	[sflag:s14] =	ssyncset.done $0x0  }
.LBB2_6:
0x3a: {  	s20 =	sadd.s32 s19, s12;
	[sflag:s14] =	ssyncadd.s32 $0xFFFFF000;
	p0 =	sne.s32 s19, $0x7C000  }
0x3b: {  	[tilespmem:s2], [sflag:$0x1] =	stream.strided.gather [hbm4b:s20+s15], $0x1000, s16, s15, $0x38;
	[tilespmem:$0x10700] =	vst v63  }
.Ltmp2:
0x3c: {  	_ = 	snop;
	(pc) =	sbr.rel @p0 .LBB2_6-.Ltmp2, $4  }
0x3d: {  	_ = 	snop  }
0x3e: {  	s19 =	sadd.s32 $0x4000, s19  }
0x3f: {  	_ =	swait.ge [sflag:s14], $0x1000  }
0x40: {  	[sflag:s14] =	ssyncset.done $0x0  }
0x41: {  	s18 =	sadd.s32 $0x1, s18  }
0x42: {  	p0 =	sne.s32 s18, s9  }
.Ltmp3:
0x43: {  	[sflag:s14] =	ssyncadd.s32 $0xFFFFF000;
	(pc) =	sbr.rel @p0 .LBB2_1-.Ltmp3, $4  }
0x44: {  	[hbm4b:s8+s15] =	stream.strided.scatter [tilespmem:s17], [sflag:$0x1], $0xD700, s16, s15, $0x38;
	[tilespmem:$0x10700] =	vst v63  }
0x45: {  	_ =	swait.ge [sflag:s14], $0xD700  }
0x46: {  	[sflag:s14] =	ssyncset.done $0x0  }
0x47: {  	[sflag:s14] =	ssyncadd.s32 $0xFFFF2900  }
0x48: {  	_ =	sfence.sel $0x180000  }
0x49: {  	[bflag:$0x0] =	sbarrier.arrive $0xFFFF  }
0x4a: {  	p0 =	sne.s32 s0, $0x0;
	_ =	strace $0x90000047  }
0x4b: {  	s0 =	sadd.s32 @!p0 $0x100000, s1;
	[bflag:$0x2] =	sbarrier.arrive $0xFFFF  }
0x4c: {  	[sflag:s0] =	ssyncadd.tile.s32 @!p0 $0x1;
	_ =	shalt  }
.Lfunc_end2:
_tile_overlayer_lowered:
.L_overlay_start_2:
0x4d: {  	(tag) =	ssettag $0x2  }
0x4e: {  	s0 =	rddreg [dreg:$0x0];
	s2 =	stileid.u32  }
0x4f: {  	s1 =	rddreg [dreg:$0x1];
	p0 =	sne.s32 s2, $0x0  }
0x50: {  	s3 =	rddreg [dreg:$0x2];
	[bflag:$0x3] =	sbarrier.arrive $0xFFFF;
	s2 =	simm.s32 @!p0 $0x1C01  }
0x51: {  	[timem:s3], [sflag:s2] =	dma.local @!p0 [hbm:s0], s1  }
0x52: {  	s0 =	simm.s32 @!p0 $0x1  }
0x53: {  	_ =	swait.ge @!p0 [sflag:s0], s1  }
0x54: {  	s1 =	ssub.s32 @!p0 $0x0, s1;
	[sflag:s0] =	ssyncset.done @!p0 $0x0  }
0x55: {  	[sflag:s0] =	ssyncadd.s32 @!p0 s1  }
0x56: {  	[bflag:$0x3] =	sbarrier.arrive $0xFFFF  }
0x57: {  	_ =	shalt  }

</sc_bundles>
